<compile_context>
chip_gen: v7x
topology: tpu7x:2x2x1
jax: 0.10.2.dev20260603
libtpu: 0.0.44.dev20260713+nightly
codegen_flags: <defaults>
</compile_context>

<pallas_src>
import jax
import jax.numpy as jnp
from jax import lax
from jax.experimental import pallas as pl
from jax.experimental.pallas import tpu as pltpu
from jax.experimental.pallas import tpu_sc as plsc

_B = 16384
_NW = 32
_BPW = _B // _NW
_PW = 128
_HB = _BPW // 2


def _run_tasks(base, tasks, bufs, sem):
  copies = [None] * len(tasks)
  for k in (0, 1):
    tab, idx_v, _, h = tasks[k]
    copies[k] = pltpu.async_copy(tab.at[idx_v.at[pl.ds(h * _HB, _HB)]],
                                 bufs[k % 2], sem)
  for k, (tab, idx_v, out, h) in enumerate(tasks):
    copies[k].wait()
    pltpu.sync_copy(bufs[k % 2], out.at[pl.ds(base + h * _HB, _HB)])
    if k + 2 < len(tasks):
      tab2, idx2, _, h2 = tasks[k + 2]
      copies[k + 2] = pltpu.async_copy(
          tab2.at[idx2.at[pl.ds(h2 * _HB, _HB)]], bufs[k % 2], sem)


def _sc_small_body(art_id_h, gen_id_h, lang_id_h, art_t, gen_t, lang_t,
                   art_o, gen_o, lang_o, aidx, gidx, lidx,
                   rows_a, rows_b, sem):
  wid = lax.axis_index("s") * 2 + lax.axis_index("c")
  base = wid * _BPW
  pltpu.sync_copy(art_id_h.at[pl.ds(base, _BPW)], aidx)
  pltpu.sync_copy(gen_id_h.at[pl.ds(base, _BPW)], gidx)
  pltpu.sync_copy(lang_id_h.at[pl.ds(base, _BPW)], lidx)
  tasks = []
  for tab, idx_v, out in ((art_t, aidx, art_o), (gen_t, gidx, gen_o),
                          (lang_t, lidx, lang_o)):
    for h in (0, 1):
      tasks.append((tab, idx_v, out, h))
  _run_tasks(base, tasks, (rows_a, rows_b), sem)


def _sc_song_body(song_id_h, song_t, song_o, sidx, rows_a, rows_b, sem):
  wid = lax.axis_index("s") * 2 + lax.axis_index("c")
  base = wid * _BPW
  pltpu.sync_copy(song_id_h.at[pl.ds(base, _BPW)], sidx)
  tasks = [(song_t, sidx, song_o, 0), (song_t, sidx, song_o, 1)]
  _run_tasks(base, tasks, (rows_a, rows_b), sem)


_sc_gather_small = pl.kernel(
    _sc_small_body,
    out_type=[jax.ShapeDtypeStruct((_B, _PW), jnp.uint32)] * 3,
    mesh=plsc.VectorSubcoreMesh(core_axis_name="c", subcore_axis_name="s"),
    scratch_types=[
        pltpu.VMEM((_BPW,), jnp.int32),
        pltpu.VMEM((_BPW,), jnp.int32),
        pltpu.VMEM((_BPW,), jnp.int32),
        pltpu.VMEM((_HB, _PW), jnp.uint32),
        pltpu.VMEM((_HB, _PW), jnp.uint32),
        pltpu.SemaphoreType.DMA,
    ],
    compiler_params=pltpu.CompilerParams(use_tc_tiling_on_sc=True),
    name="sc_gather_small",
)


_sc_gather_song = pl.kernel(
    _sc_song_body,
    out_type=jax.ShapeDtypeStruct((_B, _PW), jnp.uint32),
    mesh=plsc.VectorSubcoreMesh(core_axis_name="c", subcore_axis_name="s"),
    scratch_types=[
        pltpu.VMEM((_BPW,), jnp.int32),
        pltpu.VMEM((_HB, _PW), jnp.uint32),
        pltpu.VMEM((_HB, _PW), jnp.uint32),
        pltpu.SemaphoreType.DMA,
    ],
    compiler_params=pltpu.CompilerParams(use_tc_tiling_on_sc=True),
    name="sc_gather_song",
)


_PC = 16384


def _pack_body(xt, out):
  xu = lax.bitcast_convert_type(xt[...], jnp.uint32)
  b = (xu + jnp.uint32(0x7FFF) + ((xu >> 16) & jnp.uint32(1))) >> 16
  t = jnp.transpose(b, (1, 0))
  t4 = t.reshape(_PC // 4, 4, 64)
  w1 = t4[:, 0, :] | (t4[:, 1, :] << 16)
  w2 = t4[:, 2, :] | (t4[:, 3, :] << 16)
  out[...] = jnp.concatenate([w1, w2], axis=1)


def _pack_quads(table):
  vocab = table.shape[0]
  nsteps = (vocab + _PC - 1) // _PC
  return pl.pallas_call(
      _pack_body,
      grid=(nsteps,),
      in_specs=[pl.BlockSpec((64, _PC), lambda i: (0, i))],
      out_specs=pl.BlockSpec((_PC // 4, 128), lambda i: (i, 0)),
      out_shape=jax.ShapeDtypeStruct((vocab // 4, 128), jnp.uint32),
  )(table.T)


def _unpack(quads, hsel, parity):
  w = jnp.where(hsel > 0.5, quads[:, 64:128], quads[:, 0:64])
  lo = lax.bitcast_convert_type(w << 16, jnp.float32)
  hi = lax.bitcast_convert_type(w & jnp.uint32(0xFFFF0000), jnp.float32)
  return jnp.where(parity > 0.5, hi, lo)


_CHUNK = 2048


def _mlp_body(song_q, art_q, gen, lang, num, ssel, asel,
              w1a, w1b, w1c, w1d, wnum, bnum, w1e, b1, w2, b2, w3, b3, out):
  song = _unpack(song_q[...], ssel[:, 0:1], ssel[:, 1:2])
  art = _unpack(art_q[...], asel[:, 0:1], asel[:, 1:2])
  acc = jnp.dot(song, w1a[...], preferred_element_type=jnp.float32)
  acc += jnp.dot(art, w1b[...], preferred_element_type=jnp.float32)
  acc += jnp.dot(gen[...], w1c[...], preferred_element_type=jnp.float32)
  acc += jnp.dot(lang[...], w1d[...], preferred_element_type=jnp.float32)
  nv = jnp.dot(num[...], wnum[...], preferred_element_type=jnp.float32) + bnum[...]
  acc += jnp.dot(nv, w1e[...], preferred_element_type=jnp.float32)
  h1 = jnp.maximum(acc + b1[...], 0.0)
  h2 = jnp.maximum(jnp.dot(h1, w2[...], preferred_element_type=jnp.float32) + b2[...], 0.0)
  out[...] = jnp.dot(h2, w3[...], preferred_element_type=jnp.float32) + b3[...]


def _tc_mlp(song_q, art_q, gen_emb, lang_emb, num, ssel, asel,
            w1a, w1b, w1c, w1d, wnum, bnum, w1e, b1, w2, b2, w3, b3):
  nsteps = _B // _CHUNK
  row_spec = lambda width: pl.BlockSpec((_CHUNK, width), lambda i: (i, 0))
  full = lambda a: pl.BlockSpec(a.shape, lambda i: (0,) * a.ndim)
  return pl.pallas_call(
      _mlp_body,
      grid=(nsteps,),
      in_specs=[
          row_spec(_PW), row_spec(_PW), row_spec(_PW), row_spec(_PW),
          row_spec(8), row_spec(2), row_spec(2),
          full(w1a), full(w1b), full(w1c), full(w1d), full(wnum), full(bnum),
          full(w1e), full(b1), full(w2), full(b2), full(w3), full(b3),
      ],
      out_specs=pl.BlockSpec((_CHUNK, 64), lambda i: (i, 0)),
      out_shape=jax.ShapeDtypeStruct((_B, 64), jnp.float32),
  )(song_q, art_q, gen_emb, lang_emb, num, ssel, asel,
    w1a, w1b, w1c, w1d, wnum, bnum, w1e, b1, w2, b2, w3, b3)


def _sel(ids):
  s = ids % 4
  return jnp.stack([s // 2, s % 2], axis=1).astype(jnp.float32)


def kernel(song_id, artist_encoded, genre_encoded, language_encoded,
           numerical_features, song_table, artist_table, genre_table,
           language_table, W_num, b_num, W1, b1, W2, b2, W3, b3):
  song_id = song_id.astype(jnp.int32)
  artist_encoded = artist_encoded.astype(jnp.int32)
  art_p = _pack_quads(artist_table)
  gen_p = lax.bitcast_convert_type(
      jnp.pad(genre_table, ((0, 0), (0, _PW - 31))), jnp.uint32)
  lang_p = lax.bitcast_convert_type(
      jnp.pad(language_table, ((0, 0), (0, _PW - 31))), jnp.uint32)
  art_q, gen_u, lang_u = _sc_gather_small(
      artist_encoded // 4,
      genre_encoded.astype(jnp.int32), language_encoded.astype(jnp.int32),
      art_p, gen_p, lang_p)
  song_p = _pack_quads(song_table)
  song_q = _sc_gather_song(song_id // 4, song_p)
  gen_emb = lax.bitcast_convert_type(gen_u, jnp.float32)
  lang_emb = lax.bitcast_convert_type(lang_u, jnp.float32)
  w1a = W1[0:64]
  w1b = W1[64:128]
  w1c = jnp.pad(W1[128:159], ((0, _PW - 31), (0, 0)))
  w1d = jnp.pad(W1[159:190], ((0, _PW - 31), (0, 0)))
  w1e = W1[190:206]
  return _tc_mlp(song_q, art_q, gen_emb, lang_emb, numerical_features,
                 _sel(song_id), _sel(artist_encoded),
                 w1a, w1b, w1c, w1d, W_num, b_num.reshape(1, 16), w1e,
                 b1.reshape(1, 256), W2, b2.reshape(1, 128), W3,
                 b3.reshape(1, 64))

# --- scband reference (transcript-rebuilt; emitter-appended) ---
"""Pipeline reference for scband-song-tower-71957882077760 (READ-ONLY COPY).

The authoritative reference and input builder live on the scoring server;
editing this copy changes nothing except your own understanding.
"""

import jax, jax.numpy as jnp
import numpy as np

B = 16384
NUM_SONGS = 1000000
ARTIST_V = 100000
GENRE_V = 1000
LANG_V = 1000
EMB = 64
GENRE_DIM = min(64, int(np.sqrt(GENRE_V)))   # 31
LANG_DIM = min(64, int(np.sqrt(LANG_V)))     # 31
ARTIST_DIM = min(64, int(np.sqrt(ARTIST_V))) # 64
NUM_FEATS = 8
CONCAT = EMB + ARTIST_DIM + GENRE_DIM + LANG_DIM + 16  # 64+64+31+31+16 = 206


def setup_inputs(seed: int = 0) -> dict:
    key = jax.random.key(seed)
    ks = jax.random.split(key, 20)
    inp = {}
    inp["song_id"] = jax.random.randint(ks[0], (B,), 0, NUM_SONGS)
    inp["artist_encoded"] = jax.random.randint(ks[1], (B,), 0, ARTIST_V)
    inp["genre_encoded"] = jax.random.randint(ks[2], (B,), 0, GENRE_V)
    inp["language_encoded"] = jax.random.randint(ks[3], (B,), 0, LANG_V)
    inp["numerical_features"] = jax.random.normal(ks[4], (B, NUM_FEATS), dtype=jnp.float32)
    # learned parameters
    inp["song_table"] = jax.random.normal(ks[5], (NUM_SONGS, EMB), dtype=jnp.float32) * 0.02
    inp["artist_table"] = jax.random.normal(ks[6], (ARTIST_V, ARTIST_DIM), dtype=jnp.float32) * 0.02
    inp["genre_table"] = jax.random.normal(ks[7], (GENRE_V, GENRE_DIM), dtype=jnp.float32) * 0.02
    inp["language_table"] = jax.random.normal(ks[8], (LANG_V, LANG_DIM), dtype=jnp.float32) * 0.02
    inp["W_num"] = jax.random.normal(ks[9], (NUM_FEATS, 16), dtype=jnp.float32) * 0.1
    inp["b_num"] = jnp.zeros((16,), dtype=jnp.float32)
    inp["W1"] = jax.random.normal(ks[10], (CONCAT, 256), dtype=jnp.float32) * 0.05
    inp["b1"] = jnp.zeros((256,), dtype=jnp.float32)
    inp["W2"] = jax.random.normal(ks[11], (256, 128), dtype=jnp.float32) * 0.05
    inp["b2"] = jnp.zeros((128,), dtype=jnp.float32)
    inp["W3"] = jax.random.normal(ks[12], (128, EMB), dtype=jnp.float32) * 0.05
    inp["b3"] = jnp.zeros((EMB,), dtype=jnp.float32)
    return inp


def reference(song_id, artist_encoded, genre_encoded, language_encoded, numerical_features,
              song_table, artist_table, genre_table, language_table,
              W_num, b_num, W1, b1, W2, b2, W3, b3):
    # embedding lookups (SparseCore gathers)
    song_emb = jnp.take(song_table, song_id, axis=0)
    artist_emb = jnp.take(artist_table, artist_encoded, axis=0)
    genre_emb = jnp.take(genre_table, genre_encoded, axis=0)
    language_emb = jnp.take(language_table, language_encoded, axis=0)
    # numerical dense (linear, no activation as in Keras default)
    num_vec = numerical_features @ W_num + b_num
    x = jnp.concatenate([song_emb, artist_emb, genre_emb, language_emb, num_vec], axis=1)
    # DNN (dropout is identity at inference)
    h = jax.nn.relu(x @ W1 + b1)
    h = jax.nn.relu(h @ W2 + b2)
    out = h @ W3 + b3
    return out

if __name__ == "__main__":
    import jax
    _d = setup_inputs()
    print(jax.jit(kernel)(*tuple(_d.values())))

</pallas_src>

<mosaic_0001>
#map = affine_map<(d0, d1) -> (0)>
#map1 = affine_map<(d0, d1) -> (0, 0)>
module attributes {stable_mosaic.version = 14 : i64} {
  func.func @sc_gather_song(%arg0: i32, %arg1: i32, %arg2: memref<16384xi32, #tpu.memory_space<hbm>>, %arg3: memref<250000x128xi32, #tpu.memory_space<hbm>>, %arg4: memref<16384x128xi32, #tpu.memory_space<hbm>>, %arg5: memref<512xi32, #tpu.memory_space<vmem>>, %arg6: memref<256x128xi32, #tpu.memory_space<vmem>>, %arg7: memref<256x128xi32, #tpu.memory_space<vmem>>, %arg8: memref<!tpu.dma_semaphore, #tpu.memory_space<semaphore_mem>>) attributes {dimension_semantics = [#tpu.dimension_semantics<core_parallel>, #tpu.dimension_semantics<subcore_parallel>], iteration_bounds = array<i64: 2, 16>, scalar_prefetch = 0 : i64, scratch_operands = 4 : i64, tpu.core_type = #tpu.core_type<sc_vector_subcore>, window_params = [{transform_indices = #map}, {transform_indices = #map1}, {transform_indices = #map1}]} {
    %mul3A = arith.constant 2 : i32
    %mul3A_0 = arith.muli %arg1, %mul3A : i32
    %add3A = arith.addi %mul3A_0, %arg0 : i32
    %mul3A_1 = arith.constant 512 : i32
    %mul3A_2 = arith.muli %add3A, %mul3A_1 : i32
    "tpu.region"() ({
      %run_scoped3A = tpu.sem_alloc : memref<!tpu.dma_semaphore, #tpu.memory_space<semaphore_mem>>
      %dma_start3A_25 = tpu.memref_slice %arg2[%mul3A_2] : memref<16384xi32, #tpu.memory_space<hbm>> -> memref<512xi32, #tpu.memory_space<hbm>>
      %dma_start3A_26 = tpu.memref_slice %arg2[%mul3A_2] : memref<16384xi32, #tpu.memory_space<hbm>> -> memref<512xi32, #tpu.memory_space<hbm>>
      tpu.enqueue_dma source(%dma_start3A_26 : memref<512xi32, #tpu.memory_space<hbm>>) target(%arg5 : memref<512xi32, #tpu.memory_space<vmem>>) target_semaphore(%run_scoped3A : memref<!tpu.dma_semaphore, #tpu.memory_space<semaphore_mem>>)
      %dma_wait3A_27 = tpu.memref_slice %arg2[%mul3A_2] : memref<16384xi32, #tpu.memory_space<hbm>> -> memref<512xi32, #tpu.memory_space<hbm>>
      %dma_wait3A_28 = tpu.memref_slice %arg2[%mul3A_2] : memref<16384xi32, #tpu.memory_space<hbm>> -> memref<512xi32, #tpu.memory_space<hbm>>
      tpu.wait_dma2 semaphore(%run_scoped3A : memref<!tpu.dma_semaphore, #tpu.memory_space<semaphore_mem>>) src(%dma_wait3A_28 : memref<512xi32, #tpu.memory_space<hbm>>) dst(%arg5 : memref<512xi32, #tpu.memory_space<vmem>>)
      tpu.yield
    }) : () -> ()
    %dma_start3A = arith.constant 0 : i32
    %dma_start3A_3 = tpu.memref_slice %arg5[%dma_start3A] : memref<512xi32, #tpu.memory_space<vmem>> -> memref<256xi32, #tpu.memory_space<vmem>>
    %dma_start3A_4 = arith.constant 0 : i32
    %dma_start3A_5 = arith.constant 0 : i32
    %dma_start3A_6 = tpu.memref_slice %arg3[%dma_start3A_4, %dma_start3A_5] : memref<250000x128xi32, #tpu.memory_space<hbm>> -> memref<250000x128xi32, #tpu.memory_space<hbm>>
    tpu.enqueue_indirect_dma source(%dma_start3A_6 : memref<250000x128xi32, #tpu.memory_space<hbm>>) target(%arg6 : memref<256x128xi32, #tpu.memory_space<vmem>>) offsets(%dma_start3A_3 : memref<256xi32, #tpu.memory_space<vmem>>) semaphore(%arg8 : memref<!tpu.dma_semaphore, #tpu.memory_space<semaphore_mem>>)
    %dma_start3A_7 = arith.constant 256 : i32
    %dma_start3A_8 = tpu.memref_slice %arg5[%dma_start3A_7] : memref<512xi32, #tpu.memory_space<vmem>> -> memref<256xi32, #tpu.memory_space<vmem>>
    %dma_start3A_9 = arith.constant 0 : i32
    %dma_start3A_10 = arith.constant 0 : i32
    %dma_start3A_11 = tpu.memref_slice %arg3[%dma_start3A_9, %dma_start3A_10] : memref<250000x128xi32, #tpu.memory_space<hbm>> -> memref<250000x128xi32, #tpu.memory_space<hbm>>
    tpu.enqueue_indirect_dma source(%dma_start3A_11 : memref<250000x128xi32, #tpu.memory_space<hbm>>) target(%arg7 : memref<256x128xi32, #tpu.memory_space<vmem>>) offsets(%dma_start3A_8 : memref<256xi32, #tpu.memory_space<vmem>>) semaphore(%arg8 : memref<!tpu.dma_semaphore, #tpu.memory_space<semaphore_mem>>)
    %dma_wait3A = arith.constant 0 : i32
    %dma_wait3A_12 = tpu.memref_slice %arg5[%dma_wait3A] : memref<512xi32, #tpu.memory_space<vmem>> -> memref<256xi32, #tpu.memory_space<vmem>>
    %dma_wait3A_13 = arith.constant 0 : i32
    %dma_wait3A_14 = arith.constant 0 : i32
    %dma_wait3A_15 = tpu.memref_slice %arg3[%dma_wait3A_13, %dma_wait3A_14] : memref<250000x128xi32, #tpu.memory_space<hbm>> -> memref<250000x128xi32, #tpu.memory_space<hbm>>
    tpu.wait_indirect_dma semaphore(%arg8 : memref<!tpu.dma_semaphore, #tpu.memory_space<semaphore_mem>>) src(%dma_wait3A_15 : memref<250000x128xi32, #tpu.memory_space<hbm>>) dst(%arg6 : memref<256x128xi32, #tpu.memory_space<vmem>>)
    %add3A_16 = arith.constant 0 : i32
    %add3A_17 = arith.addi %mul3A_2, %add3A_16 : i32
    "tpu.region"() ({
      %run_scoped3A = tpu.sem_alloc : memref<!tpu.dma_semaphore, #tpu.memory_space<semaphore_mem>>
      %dma_start3A_25 = arith.constant 0 : i32
      %dma_start3A_26 = tpu.memref_slice %arg4[%add3A_17, %dma_start3A_25] : memref<16384x128xi32, #tpu.memory_space<hbm>> -> memref<256x128xi32, #tpu.memory_space<hbm>>
      %dma_start3A_27 = arith.constant 0 : i32
      %dma_start3A_28 = tpu.memref_slice %arg4[%add3A_17, %dma_start3A_27] : memref<16384x128xi32, #tpu.memory_space<hbm>> -> memref<256x128xi32, #tpu.memory_space<hbm>>
      tpu.enqueue_dma source(%arg6 : memref<256x128xi32, #tpu.memory_space<vmem>>) target(%dma_start3A_28 : memref<256x128xi32, #tpu.memory_space<hbm>>) target_semaphore(%run_scoped3A : memref<!tpu.dma_semaphore, #tpu.memory_space<semaphore_mem>>)
      %dma_wait3A_29 = arith.constant 0 : i32
      %dma_wait3A_30 = tpu.memref_slice %arg4[%add3A_17, %dma_wait3A_29] : memref<16384x128xi32, #tpu.memory_space<hbm>> -> memref<256x128xi32, #tpu.memory_space<hbm>>
      %dma_wait3A_31 = arith.constant 0 : i32
      %dma_wait3A_32 = tpu.memref_slice %arg4[%add3A_17, %dma_wait3A_31] : memref<16384x128xi32, #tpu.memory_space<hbm>> -> memref<256x128xi32, #tpu.memory_space<hbm>>
      tpu.wait_dma2 semaphore(%run_scoped3A : memref<!tpu.dma_semaphore, #tpu.memory_space<semaphore_mem>>) src(%arg6 : memref<256x128xi32, #tpu.memory_space<vmem>>) dst(%dma_wait3A_32 : memref<256x128xi32, #tpu.memory_space<hbm>>)
      tpu.yield
    }) : () -> ()
    %dma_wait3A_18 = arith.constant 256 : i32
    %dma_wait3A_19 = tpu.memref_slice %arg5[%dma_wait3A_18] : memref<512xi32, #tpu.memory_space<vmem>> -> memref<256xi32, #tpu.memory_space<vmem>>
    %dma_wait3A_20 = arith.constant 0 : i32
    %dma_wait3A_21 = arith.constant 0 : i32
    %dma_wait3A_22 = tpu.memref_slice %arg3[%dma_wait3A_20, %dma_wait3A_21] : memref<250000x128xi32, #tpu.memory_space<hbm>> -> memref<250000x128xi32, #tpu.memory_space<hbm>>
    tpu.wait_indirect_dma semaphore(%arg8 : memref<!tpu.dma_semaphore, #tpu.memory_space<semaphore_mem>>) src(%dma_wait3A_22 : memref<250000x128xi32, #tpu.memory_space<hbm>>) dst(%arg7 : memref<256x128xi32, #tpu.memory_space<vmem>>)
    %add3A_23 = arith.constant 256 : i32
    %add3A_24 = arith.addi %mul3A_2, %add3A_23 : i32
    "tpu.region"() ({
      %run_scoped3A = tpu.sem_alloc : memref<!tpu.dma_semaphore, #tpu.memory_space<semaphore_mem>>
      %dma_start3A_25 = arith.constant 0 : i32
      %dma_start3A_26 = tpu.memref_slice %arg4[%add3A_24, %dma_start3A_25] : memref<16384x128xi32, #tpu.memory_space<hbm>> -> memref<256x128xi32, #tpu.memory_space<hbm>>
      %dma_start3A_27 = arith.constant 0 : i32
      %dma_start3A_28 = tpu.memref_slice %arg4[%add3A_24, %dma_start3A_27] : memref<16384x128xi32, #tpu.memory_space<hbm>> -> memref<256x128xi32, #tpu.memory_space<hbm>>
      tpu.enqueue_dma source(%arg7 : memref<256x128xi32, #tpu.memory_space<vmem>>) target(%dma_start3A_28 : memref<256x128xi32, #tpu.memory_space<hbm>>) target_semaphore(%run_scoped3A : memref<!tpu.dma_semaphore, #tpu.memory_space<semaphore_mem>>)
      %dma_wait3A_29 = arith.constant 0 : i32
      %dma_wait3A_30 = tpu.memref_slice %arg4[%add3A_24, %dma_wait3A_29] : memref<16384x128xi32, #tpu.memory_space<hbm>> -> memref<256x128xi32, #tpu.memory_space<hbm>>
      %dma_wait3A_31 = arith.constant 0 : i32
      %dma_wait3A_32 = tpu.memref_slice %arg4[%add3A_24, %dma_wait3A_31] : memref<16384x128xi32, #tpu.memory_space<hbm>> -> memref<256x128xi32, #tpu.memory_space<hbm>>
      tpu.wait_dma2 semaphore(%run_scoped3A : memref<!tpu.dma_semaphore, #tpu.memory_space<semaphore_mem>>) src(%arg7 : memref<256x128xi32, #tpu.memory_space<vmem>>) dst(%dma_wait3A_32 : memref<256x128xi32, #tpu.memory_space<hbm>>)
      tpu.yield
    }) : () -> ()
    return
  }
}

#map = affine_map<(d0, d1) -> (0)>
#map1 = affine_map<(d0, d1) -> (0, 0)>
module attributes {stable_mosaic.version = 14 : i64} {
  func.func @sc_gather_small(%arg0: i32, %arg1: i32, %arg2: memref<16384xi32, #tpu.memory_space<hbm>>, %arg3: memref<16384xi32, #tpu.memory_space<hbm>>, %arg4: memref<16384xi32, #tpu.memory_space<hbm>>, %arg5: memref<25000x128xi32, #tpu.memory_space<hbm>>, %arg6: memref<1000x128xi32, #tpu.memory_space<hbm>>, %arg7: memref<1000x128xi32, #tpu.memory_space<hbm>>, %arg8: memref<16384x128xi32, #tpu.memory_space<hbm>>, %arg9: memref<16384x128xi32, #tpu.memory_space<hbm>>, %arg10: memref<16384x128xi32, #tpu.memory_space<hbm>>, %arg11: memref<512xi32, #tpu.memory_space<vmem>>, %arg12: memref<512xi32, #tpu.memory_space<vmem>>, %arg13: memref<512xi32, #tpu.memory_space<vmem>>, %arg14: memref<256x128xi32, #tpu.memory_space<vmem>>, %arg15: memref<256x128xi32, #tpu.memory_space<vmem>>, %arg16: memref<!tpu.dma_semaphore, #tpu.memory_space<semaphore_mem>>) attributes {dimension_semantics = [#tpu.dimension_semantics<core_parallel>, #tpu.dimension_semantics<subcore_parallel>], iteration_bounds = array<i64: 2, 16>, scalar_prefetch = 0 : i64, scratch_operands = 6 : i64, tpu.core_type = #tpu.core_type<sc_vector_subcore>, window_params = [{transform_indices = #map}, {transform_indices = #map}, {transform_indices = #map}, {transform_indices = #map1}, {transform_indices = #map1}, {transform_indices = #map1}, {transform_indices = #map1}, {transform_indices = #map1}, {transform_indices = #map1}]} {
    %mul3A = arith.constant 2 : i32
    %mul3A_0 = arith.muli %arg1, %mul3A : i32
    %add3A = arith.addi %mul3A_0, %arg0 : i32
    %mul3A_1 = arith.constant 512 : i32
    %mul3A_2 = arith.muli %add3A, %mul3A_1 : i32
    "tpu.region"() ({
      %run_scoped3A = tpu.sem_alloc : memref<!tpu.dma_semaphore, #tpu.memory_space<semaphore_mem>>
      %dma_start3A_73 = tpu.memref_slice %arg2[%mul3A_2] : memref<16384xi32, #tpu.memory_space<hbm>> -> memref<512xi32, #tpu.memory_space<hbm>>
      %dma_start3A_74 = tpu.memref_slice %arg2[%mul3A_2] : memref<16384xi32, #tpu.memory_space<hbm>> -> memref<512xi32, #tpu.memory_space<hbm>>
      tpu.enqueue_dma source(%dma_start3A_74 : memref<512xi32, #tpu.memory_space<hbm>>) target(%arg11 : memref<512xi32, #tpu.memory_space<vmem>>) target_semaphore(%run_scoped3A : memref<!tpu.dma_semaphore, #tpu.memory_space<semaphore_mem>>)
      %dma_wait3A_75 = tpu.memref_slice %arg2[%mul3A_2] : memref<16384xi32, #tpu.memory_space<hbm>> -> memref<512xi32, #tpu.memory_space<hbm>>
      %dma_wait3A_76 = tpu.memref_slice %arg2[%mul3A_2] : memref<16384xi32, #tpu.memory_space<hbm>> -> memref<512xi32, #tpu.memory_space<hbm>>
      tpu.wait_dma2 semaphore(%run_scoped3A : memref<!tpu.dma_semaphore, #tpu.memory_space<semaphore_mem>>) src(%dma_wait3A_76 : memref<512xi32, #tpu.memory_space<hbm>>) dst(%arg11 : memref<512xi32, #tpu.memory_space<vmem>>)
      tpu.yield
    }) : () -> ()
    "tpu.region"() ({
      %run_scoped3A = tpu.sem_alloc : memref<!tpu.dma_semaphore, #tpu.memory_space<semaphore_mem>>
      %dma_start3A_73 = tpu.memref_slice %arg3[%mul3A_2] : memref<16384xi32, #tpu.memory_space<hbm>> -> memref<512xi32, #tpu.memory_space<hbm>>
      %dma_start3A_74 = tpu.memref_slice %arg3[%mul3A_2] : memref<16384xi32, #tpu.memory_space<hbm>> -> memref<512xi32, #tpu.memory_space<hbm>>
      tpu.enqueue_dma source(%dma_start3A_74 : memref<512xi32, #tpu.memory_space<hbm>>) target(%arg12 : memref<512xi32, #tpu.memory_space<vmem>>) target_semaphore(%run_scoped3A : memref<!tpu.dma_semaphore, #tpu.memory_space<semaphore_mem>>)
      %dma_wait3A_75 = tpu.memref_slice %arg3[%mul3A_2] : memref<16384xi32, #tpu.memory_space<hbm>> -> memref<512xi32, #tpu.memory_space<hbm>>
      %dma_wait3A_76 = tpu.memref_slice %arg3[%mul3A_2] : memref<16384xi32, #tpu.memory_space<hbm>> -> memref<512xi32, #tpu.memory_space<hbm>>
      tpu.wait_dma2 semaphore(%run_scoped3A : memref<!tpu.dma_semaphore, #tpu.memory_space<semaphore_mem>>) src(%dma_wait3A_76 : memref<512xi32, #tpu.memory_space<hbm>>) dst(%arg12 : memref<512xi32, #tpu.memory_space<vmem>>)
      tpu.yield
    }) : () -> ()
    "tpu.region"() ({
      %run_scoped3A = tpu.sem_alloc : memref<!tpu.dma_semaphore, #tpu.memory_space<semaphore_mem>>
      %dma_start3A_73 = tpu.memref_slice %arg4[%mul3A_2] : memref<16384xi32, #tpu.memory_space<hbm>> -> memref<512xi32, #tpu.memory_space<hbm>>
      %dma_start3A_74 = tpu.memref_slice %arg4[%mul3A_2] : memref<16384xi32, #tpu.memory_space<hbm>> -> memref<512xi32, #tpu.memory_space<hbm>>
      tpu.enqueue_dma source(%dma_start3A_74 : memref<512xi32, #tpu.memory_space<hbm>>) target(%arg13 : memref<512xi32, #tpu.memory_space<vmem>>) target_semaphore(%run_scoped3A : memref<!tpu.dma_semaphore, #tpu.memory_space<semaphore_mem>>)
      %dma_wait3A_75 = tpu.memref_slice %arg4[%mul3A_2] : memref<16384xi32, #tpu.memory_space<hbm>> -> memref<512xi32, #tpu.memory_space<hbm>>
      %dma_wait3A_76 = tpu.memref_slice %arg4[%mul3A_2] : memref<16384xi32, #tpu.memory_space<hbm>> -> memref<512xi32, #tpu.memory_space<hbm>>
      tpu.wait_dma2 semaphore(%run_scoped3A : memref<!tpu.dma_semaphore, #tpu.memory_space<semaphore_mem>>) src(%dma_wait3A_76 : memref<512xi32, #tpu.memory_space<hbm>>) dst(%arg13 : memref<512xi32, #tpu.memory_space<vmem>>)
      tpu.yield
    }) : () -> ()
    %dma_start3A = arith.constant 0 : i32
    %dma_start3A_3 = tpu.memref_slice %arg11[%dma_start3A] : memref<512xi32, #tpu.memory_space<vmem>> -> memref<256xi32, #tpu.memory_space<vmem>>
    %dma_start3A_4 = arith.constant 0 : i32
    %dma_start3A_5 = arith.constant 0 : i32
    %dma_start3A_6 = tpu.memref_slice %arg5[%dma_start3A_4, %dma_start3A_5] : memref<25000x128xi32, #tpu.memory_space<hbm>> -> memref<25000x128xi32, #tpu.memory_space<hbm>>
    tpu.enqueue_indirect_dma source(%dma_start3A_6 : memref<25000x128xi32, #tpu.memory_space<hbm>>) target(%arg14 : memref<256x128xi32, #tpu.memory_space<vmem>>) offsets(%dma_start3A_3 : memref<256xi32, #tpu.memory_space<vmem>>) semaphore(%arg16 : memref<!tpu.dma_semaphore, #tpu.memory_space<semaphore_mem>>)
    %dma_start3A_7 = arith.constant 256 : i32
    %dma_start3A_8 = tpu.memref_slice %arg11[%dma_start3A_7] : memref<512xi32, #tpu.memory_space<vmem>> -> memref<256xi32, #tpu.memory_space<vmem>>
    %dma_start3A_9 = arith.constant 0 : i32
    %dma_start3A_10 = arith.constant 0 : i32
    %dma_start3A_11 = tpu.memref_slice %arg5[%dma_start3A_9, %dma_start3A_10] : memref<25000x128xi32, #tpu.memory_space<hbm>> -> memref<25000x128xi32, #tpu.memory_space<hbm>>
    tpu.enqueue_indirect_dma source(%dma_start3A_11 : memref<25000x128xi32, #tpu.memory_space<hbm>>) target(%arg15 : memref<256x128xi32, #tpu.memory_space<vmem>>) offsets(%dma_start3A_8 : memref<256xi32, #tpu.memory_space<vmem>>) semaphore(%arg16 : memref<!tpu.dma_semaphore, #tpu.memory_space<semaphore_mem>>)
    %dma_wait3A = arith.constant 0 : i32
    %dma_wait3A_12 = tpu.memref_slice %arg11[%dma_wait3A] : memref<512xi32, #tpu.memory_space<vmem>> -> memref<256xi32, #tpu.memory_space<vmem>>
    %dma_wait3A_13 = arith.constant 0 : i32
    %dma_wait3A_14 = arith.constant 0 : i32
    %dma_wait3A_15 = tpu.memref_slice %arg5[%dma_wait3A_13, %dma_wait3A_14] : memref<25000x128xi32, #tpu.memory_space<hbm>> -> memref<25000x128xi32, #tpu.memory_space<hbm>>
    tpu.wait_indirect_dma semaphore(%arg16 : memref<!tpu.dma_semaphore, #tpu.memory_space<semaphore_mem>>) src(%dma_wait3A_15 : memref<25000x128xi32, #tpu.memory_space<hbm>>) dst(%arg14 : memref<256x128xi32, #tpu.memory_space<vmem>>)
    %add3A_16 = arith.constant 0 : i32
    %add3A_17 = arith.addi %mul3A_2, %add3A_16 : i32
    "tpu.region"() ({
      %run_scoped3A = tpu.sem_alloc : memref<!tpu.dma_semaphore, #tpu.memory_space<semaphore_mem>>
      %dma_start3A_73 = arith.constant 0 : i32
      %dma_start3A_74 = tpu.memref_slice %arg8[%add3A_17, %dma_start3A_73] : memref<16384x128xi32, #tpu.memory_space<hbm>> -> memref<256x128xi32, #tpu.memory_space<hbm>>
      %dma_start3A_75 = arith.constant 0 : i32
      %dma_start3A_76 = tpu.memref_slice %arg8[%add3A_17, %dma_start3A_75] : memref<16384x128xi32, #tpu.memory_space<hbm>> -> memref<256x128xi32, #tpu.memory_space<hbm>>
      tpu.enqueue_dma source(%arg14 : memref<256x128xi32, #tpu.memory_space<vmem>>) target(%dma_start3A_76 : memref<256x128xi32, #tpu.memory_space<hbm>>) target_semaphore(%run_scoped3A : memref<!tpu.dma_semaphore, #tpu.memory_space<semaphore_mem>>)
      %dma_wait3A_77 = arith.constant 0 : i32
      %dma_wait3A_78 = tpu.memref_slice %arg8[%add3A_17, %dma_wait3A_77] : memref<16384x128xi32, #tpu.memory_space<hbm>> -> memref<256x128xi32, #tpu.memory_space<hbm>>
      %dma_wait3A_79 = arith.constant 0 : i32
      %dma_wait3A_80 = tpu.memref_slice %arg8[%add3A_17, %dma_wait3A_79] : memref<16384x128xi32, #tpu.memory_space<hbm>> -> memref<256x128xi32, #tpu.memory_space<hbm>>
      tpu.wait_dma2 semaphore(%run_scoped3A : memref<!tpu.dma_semaphore, #tpu.memory_space<semaphore_mem>>) src(%arg14 : memref<256x128xi32, #tpu.memory_space<vmem>>) dst(%dma_wait3A_80 : memref<256x128xi32, #tpu.memory_space<hbm>>)
      tpu.yield
    }) : () -> ()
    %dma_start3A_18 = arith.constant 0 : i32
    %dma_start3A_19 = tpu.memref_slice %arg12[%dma_start3A_18] : memref<512xi32, #tpu.memory_space<vmem>> -> memref<256xi32, #tpu.memory_space<vmem>>
    %dma_start3A_20 = arith.constant 0 : i32
    %dma_start3A_21 = arith.constant 0 : i32
    %dma_start3A_22 = tpu.memref_slice %arg6[%dma_start3A_20, %dma_start3A_21] : memref<1000x128xi32, #tpu.memory_space<hbm>> -> memref<1000x128xi32, #tpu.memory_space<hbm>>
    tpu.enqueue_indirect_dma source(%dma_start3A_22 : memref<1000x128xi32, #tpu.memory_space<hbm>>) target(%arg14 : memref<256x128xi32, #tpu.memory_space<vmem>>) offsets(%dma_start3A_19 : memref<256xi32, #tpu.memory_space<vmem>>) semaphore(%arg16 : memref<!tpu.dma_semaphore, #tpu.memory_space<semaphore_mem>>)
    %dma_wait3A_23 = arith.constant 256 : i32
    %dma_wait3A_24 = tpu.memref_slice %arg11[%dma_wait3A_23] : memref<512xi32, #tpu.memory_space<vmem>> -> memref<256xi32, #tpu.memory_space<vmem>>
    %dma_wait3A_25 = arith.constant 0 : i32
    %dma_wait3A_26 = arith.constant 0 : i32
    %dma_wait3A_27 = tpu.memref_slice %arg5[%dma_wait3A_25, %dma_wait3A_26] : memref<25000x128xi32, #tpu.memory_space<hbm>> -> memref<25000x128xi32, #tpu.memory_space<hbm>>
    tpu.wait_indirect_dma semaphore(%arg16 : memref<!tpu.dma_semaphore, #tpu.memory_space<semaphore_mem>>) src(%dma_wait3A_27 : memref<25000x128xi32, #tpu.memory_space<hbm>>) dst(%arg15 : memref<256x128xi32, #tpu.memory_space<vmem>>)
    %add3A_28 = arith.constant 256 : i32
    %add3A_29 = arith.addi %mul3A_2, %add3A_28 : i32
    "tpu.region"() ({
      %run_scoped3A = tpu.sem_alloc : memref<!tpu.dma_semaphore, #tpu.memory_space<semaphore_mem>>
      %dma_start3A_73 = arith.constant 0 : i32
      %dma_start3A_74 = tpu.memref_slice %arg8[%add3A_29, %dma_start3A_73] : memref<16384x128xi32, #tpu.memory_space<hbm>> -> memref<256x128xi32, #tpu.memory_space<hbm>>
      %dma_start3A_75 = arith.constant 0 : i32
      %dma_start3A_76 = tpu.memref_slice %arg8[%add3A_29, %dma_start3A_75] : memref<16384x128xi32, #tpu.memory_space<hbm>> -> memref<256x128xi32, #tpu.memory_space<hbm>>
      tpu.enqueue_dma source(%arg15 : memref<256x128xi32, #tpu.memory_space<vmem>>) target(%dma_start3A_76 : memref<256x128xi32, #tpu.memory_space<hbm>>) target_semaphore(%run_scoped3A : memref<!tpu.dma_semaphore, #tpu.memory_space<semaphore_mem>>)
      %dma_wait3A_77 = arith.constant 0 : i32
      %dma_wait3A_78 = tpu.memref_slice %arg8[%add3A_29, %dma_wait3A_77] : memref<16384x128xi32, #tpu.memory_space<hbm>> -> memref<256x128xi32, #tpu.memory_space<hbm>>
      %dma_wait3A_79 = arith.constant 0 : i32
      %dma_wait3A_80 = tpu.memref_slice %arg8[%add3A_29, %dma_wait3A_79] : memref<16384x128xi32, #tpu.memory_space<hbm>> -> memref<256x128xi32, #tpu.memory_space<hbm>>
      tpu.wait_dma2 semaphore(%run_scoped3A : memref<!tpu.dma_semaphore, #tpu.memory_space<semaphore_mem>>) src(%arg15 : memref<256x128xi32, #tpu.memory_space<vmem>>) dst(%dma_wait3A_80 : memref<256x128xi32, #tpu.memory_space<hbm>>)
      tpu.yield
    }) : () -> ()
    %dma_start3A_30 = arith.constant 256 : i32
    %dma_start3A_31 = tpu.memref_slice %arg12[%dma_start3A_30] : memref<512xi32, #tpu.memory_space<vmem>> -> memref<256xi32, #tpu.memory_space<vmem>>
    %dma_start3A_32 = arith.constant 0 : i32
    %dma_start3A_33 = arith.constant 0 : i32
    %dma_start3A_34 = tpu.memref_slice %arg6[%dma_start3A_32, %dma_start3A_33] : memref<1000x128xi32, #tpu.memory_space<hbm>> -> memref<1000x128xi32, #tpu.memory_space<hbm>>
    tpu.enqueue_indirect_dma source(%dma_start3A_34 : memref<1000x128xi32, #tpu.memory_space<hbm>>) target(%arg15 : memref<256x128xi32, #tpu.memory_space<vmem>>) offsets(%dma_start3A_31 : memref<256xi32, #tpu.memory_space<vmem>>) semaphore(%arg16 : memref<!tpu.dma_semaphore, #tpu.memory_space<semaphore_mem>>)
    %dma_wait3A_35 = arith.constant 0 : i32
    %dma_wait3A_36 = tpu.memref_slice %arg12[%dma_wait3A_35] : memref<512xi32, #tpu.memory_space<vmem>> -> memref<256xi32, #tpu.memory_space<vmem>>
    %dma_wait3A_37 = arith.constant 0 : i32
    %dma_wait3A_38 = arith.constant 0 : i32
    %dma_wait3A_39 = tpu.memref_slice %arg6[%dma_wait3A_37, %dma_wait3A_38] : memref<1000x128xi32, #tpu.memory_space<hbm>> -> memref<1000x128xi32, #tpu.memory_space<hbm>>
    tpu.wait_indirect_dma semaphore(%arg16 : memref<!tpu.dma_semaphore, #tpu.memory_space<semaphore_mem>>) src(%dma_wait3A_39 : memref<1000x128xi32, #tpu.memory_space<hbm>>) dst(%arg14 : memref<256x128xi32, #tpu.memory_space<vmem>>)
    %add3A_40 = arith.constant 0 : i32
    %add3A_41 = arith.addi %mul3A_2, %add3A_40 : i32
    "tpu.region"() ({
      %run_scoped3A = tpu.sem_alloc : memref<!tpu.dma_semaphore, #tpu.memory_space<semaphore_mem>>
      %dma_start3A_73 = arith.constant 0 : i32
      %dma_start3A_74 = tpu.memref_slice %arg9[%add3A_41, %dma_start3A_73] : memref<16384x128xi32, #tpu.memory_space<hbm>> -> memref<256x128xi32, #tpu.memory_space<hbm>>
      %dma_start3A_75 = arith.constant 0 : i32
      %dma_start3A_76 = tpu.memref_slice %arg9[%add3A_41, %dma_start3A_75] : memref<16384x128xi32, #tpu.memory_space<hbm>> -> memref<256x128xi32, #tpu.memory_space<hbm>>
      tpu.enqueue_dma source(%arg14 : memref<256x128xi32, #tpu.memory_space<vmem>>) target(%dma_start3A_76 : memref<256x128xi32, #tpu.memory_space<hbm>>) target_semaphore(%run_scoped3A : memref<!tpu.dma_semaphore, #tpu.memory_space<semaphore_mem>>)
      %dma_wait3A_77 = arith.constant 0 : i32
      %dma_wait3A_78 = tpu.memref_slice %arg9[%add3A_41, %dma_wait3A_77] : memref<16384x128xi32, #tpu.memory_space<hbm>> -> memref<256x128xi32, #tpu.memory_space<hbm>>
      %dma_wait3A_79 = arith.constant 0 : i32
      %dma_wait3A_80 = tpu.memref_slice %arg9[%add3A_41, %dma_wait3A_79] : memref<16384x128xi32, #tpu.memory_space<hbm>> -> memref<256x128xi32, #tpu.memory_space<hbm>>
      tpu.wait_dma2 semaphore(%run_scoped3A : memref<!tpu.dma_semaphore, #tpu.memory_space<semaphore_mem>>) src(%arg14 : memref<256x128xi32, #tpu.memory_space<vmem>>) dst(%dma_wait3A_80 : memref<256x128xi32, #tpu.memory_space<hbm>>)
      tpu.yield
    }) : () -> ()
    %dma_start3A_42 = arith.constant 0 : i32
    %dma_start3A_43 = tpu.memref_slice %arg13[%dma_start3A_42] : memref<512xi32, #tpu.memory_space<vmem>> -> memref<256xi32, #tpu.memory_space<vmem>>
    %dma_start3A_44 = arith.constant 0 : i32
    %dma_start3A_45 = arith.constant 0 : i32
    %dma_start3A_46 = tpu.memref_slice %arg7[%dma_start3A_44, %dma_start3A_45] : memref<1000x128xi32, #tpu.memory_space<hbm>> -> memref<1000x128xi32, #tpu.memory_space<hbm>>
    tpu.enqueue_indirect_dma source(%dma_start3A_46 : memref<1000x128xi32, #tpu.memory_space<hbm>>) target(%arg14 : memref<256x128xi32, #tpu.memory_space<vmem>>) offsets(%dma_start3A_43 : memref<256xi32, #tpu.memory_space<vmem>>) semaphore(%arg16 : memref<!tpu.dma_semaphore, #tpu.memory_space<semaphore_mem>>)
    %dma_wait3A_47 = arith.constant 256 : i32
    %dma_wait3A_48 = tpu.memref_slice %arg12[%dma_wait3A_47] : memref<512xi32, #tpu.memory_space<vmem>> -> memref<256xi32, #tpu.memory_space<vmem>>
    %dma_wait3A_49 = arith.constant 0 : i32
    %dma_wait3A_50 = arith.constant 0 : i32
    %dma_wait3A_51 = tpu.memref_slice %arg6[%dma_wait3A_49, %dma_wait3A_50] : memref<1000x128xi32, #tpu.memory_space<hbm>> -> memref<1000x128xi32, #tpu.memory_space<hbm>>
    tpu.wait_indirect_dma semaphore(%arg16 : memref<!tpu.dma_semaphore, #tpu.memory_space<semaphore_mem>>) src(%dma_wait3A_51 : memref<1000x128xi32, #tpu.memory_space<hbm>>) dst(%arg15 : memref<256x128xi32, #tpu.memory_space<vmem>>)
    %add3A_52 = arith.constant 256 : i32
    %add3A_53 = arith.addi %mul3A_2, %add3A_52 : i32
    "tpu.region"() ({
      %run_scoped3A = tpu.sem_alloc : memref<!tpu.dma_semaphore, #tpu.memory_space<semaphore_mem>>
      %dma_start3A_73 = arith.constant 0 : i32
      %dma_start3A_74 = tpu.memref_slice %arg9[%add3A_53, %dma_start3A_73] : memref<16384x128xi32, #tpu.memory_space<hbm>> -> memref<256x128xi32, #tpu.memory_space<hbm>>
      %dma_start3A_75 = arith.constant 0 : i32
      %dma_start3A_76 = tpu.memref_slice %arg9[%add3A_53, %dma_start3A_75] : memref<16384x128xi32, #tpu.memory_space<hbm>> -> memref<256x128xi32, #tpu.memory_space<hbm>>
      tpu.enqueue_dma source(%arg15 : memref<256x128xi32, #tpu.memory_space<vmem>>) target(%dma_start3A_76 : memref<256x128xi32, #tpu.memory_space<hbm>>) target_semaphore(%run_scoped3A : memref<!tpu.dma_semaphore, #tpu.memory_space<semaphore_mem>>)
      %dma_wait3A_77 = arith.constant 0 : i32
      %dma_wait3A_78 = tpu.memref_slice %arg9[%add3A_53, %dma_wait3A_77] : memref<16384x128xi32, #tpu.memory_space<hbm>> -> memref<256x128xi32, #tpu.memory_space<hbm>>
      %dma_wait3A_79 = arith.constant 0 : i32
      %dma_wait3A_80 = tpu.memref_slice %arg9[%add3A_53, %dma_wait3A_79] : memref<16384x128xi32, #tpu.memory_space<hbm>> -> memref<256x128xi32, #tpu.memory_space<hbm>>
      tpu.wait_dma2 semaphore(%run_scoped3A : memref<!tpu.dma_semaphore, #tpu.memory_space<semaphore_mem>>) src(%arg15 : memref<256x128xi32, #tpu.memory_space<vmem>>) dst(%dma_wait3A_80 : memref<256x128xi32, #tpu.memory_space<hbm>>)
      tpu.yield
    }) : () -> ()
    %dma_start3A_54 = arith.constant 256 : i32
    %dma_start3A_55 = tpu.memref_slice %arg13[%dma_start3A_54] : memref<512xi32, #tpu.memory_space<vmem>> -> memref<256xi32, #tpu.memory_space<vmem>>
    %dma_start3A_56 = arith.constant 0 : i32
    %dma_start3A_57 = arith.constant 0 : i32
    %dma_start3A_58 = tpu.memref_slice %arg7[%dma_start3A_56, %dma_start3A_57] : memref<1000x128xi32, #tpu.memory_space<hbm>> -> memref<1000x128xi32, #tpu.memory_space<hbm>>
    tpu.enqueue_indirect_dma source(%dma_start3A_58 : memref<1000x128xi32, #tpu.memory_space<hbm>>) target(%arg15 : memref<256x128xi32, #tpu.memory_space<vmem>>) offsets(%dma_start3A_55 : memref<256xi32, #tpu.memory_space<vmem>>) semaphore(%arg16 : memref<!tpu.dma_semaphore, #tpu.memory_space<semaphore_mem>>)
    %dma_wait3A_59 = arith.constant 0 : i32
    %dma_wait3A_60 = tpu.memref_slice %arg13[%dma_wait3A_59] : memref<512xi32, #tpu.memory_space<vmem>> -> memref<256xi32, #tpu.memory_space<vmem>>
    %dma_wait3A_61 = arith.constant 0 : i32
    %dma_wait3A_62 = arith.constant 0 : i32
    %dma_wait3A_63 = tpu.memref_slice %arg7[%dma_wait3A_61, %dma_wait3A_62] : memref<1000x128xi32, #tpu.memory_space<hbm>> -> memref<1000x128xi32, #tpu.memory_space<hbm>>
    tpu.wait_indirect_dma semaphore(%arg16 : memref<!tpu.dma_semaphore, #tpu.memory_space<semaphore_mem>>) src(%dma_wait3A_63 : memref<1000x128xi32, #tpu.memory_space<hbm>>) dst(%arg14 : memref<256x128xi32, #tpu.memory_space<vmem>>)
    %add3A_64 = arith.constant 0 : i32
    %add3A_65 = arith.addi %mul3A_2, %add3A_64 : i32
    "tpu.region"() ({
      %run_scoped3A = tpu.sem_alloc : memref<!tpu.dma_semaphore, #tpu.memory_space<semaphore_mem>>
      %dma_start3A_73 = arith.constant 0 : i32
      %dma_start3A_74 = tpu.memref_slice %arg10[%add3A_65, %dma_start3A_73] : memref<16384x128xi32, #tpu.memory_space<hbm>> -> memref<256x128xi32, #tpu.memory_space<hbm>>
      %dma_start3A_75 = arith.constant 0 : i32
      %dma_start3A_76 = tpu.memref_slice %arg10[%add3A_65, %dma_start3A_75] : memref<16384x128xi32, #tpu.memory_space<hbm>> -> memref<256x128xi32, #tpu.memory_space<hbm>>
      tpu.enqueue_dma source(%arg14 : memref<256x128xi32, #tpu.memory_space<vmem>>) target(%dma_start3A_76 : memref<256x128xi32, #tpu.memory_space<hbm>>) target_semaphore(%run_scoped3A : memref<!tpu.dma_semaphore, #tpu.memory_space<semaphore_mem>>)
      %dma_wait3A_77 = arith.constant 0 : i32
      %dma_wait3A_78 = tpu.memref_slice %arg10[%add3A_65, %dma_wait3A_77] : memref<16384x128xi32, #tpu.memory_space<hbm>> -> memref<256x128xi32, #tpu.memory_space<hbm>>
      %dma_wait3A_79 = arith.constant 0 : i32
      %dma_wait3A_80 = tpu.memref_slice %arg10[%add3A_65, %dma_wait3A_79] : memref<16384x128xi32, #tpu.memory_space<hbm>> -> memref<256x128xi32, #tpu.memory_space<hbm>>
      tpu.wait_dma2 semaphore(%run_scoped3A : memref<!tpu.dma_semaphore, #tpu.memory_space<semaphore_mem>>) src(%arg14 : memref<256x128xi32, #tpu.memory_space<vmem>>) dst(%dma_wait3A_80 : memref<256x128xi32, #tpu.memory_space<hbm>>)
      tpu.yield
    }) : () -> ()
    %dma_wait3A_66 = arith.constant 256 : i32
    %dma_wait3A_67 = tpu.memref_slice %arg13[%dma_wait3A_66] : memref<512xi32, #tpu.memory_space<vmem>> -> memref<256xi32, #tpu.memory_space<vmem>>
    %dma_wait3A_68 = arith.constant 0 : i32
    %dma_wait3A_69 = arith.constant 0 : i32
    %dma_wait3A_70 = tpu.memref_slice %arg7[%dma_wait3A_68, %dma_wait3A_69] : memref<1000x128xi32, #tpu.memory_space<hbm>> -> memref<1000x128xi32, #tpu.memory_space<hbm>>
    tpu.wait_indirect_dma semaphore(%arg16 : memref<!tpu.dma_semaphore, #tpu.memory_space<semaphore_mem>>) src(%dma_wait3A_70 : memref<1000x128xi32, #tpu.memory_space<hbm>>) dst(%arg15 : memref<256x128xi32, #tpu.memory_space<vmem>>)
    %add3A_71 = arith.constant 256 : i32
    %add3A_72 = arith.addi %mul3A_2, %add3A_71 : i32
    "tpu.region"() ({
      %run_scoped3A = tpu.sem_alloc : memref<!tpu.dma_semaphore, #tpu.memory_space<semaphore_mem>>
      %dma_start3A_73 = arith.constant 0 : i32
      %dma_start3A_74 = tpu.memref_slice %arg10[%add3A_72, %dma_start3A_73] : memref<16384x128xi32, #tpu.memory_space<hbm>> -> memref<256x128xi32, #tpu.memory_space<hbm>>
      %dma_start3A_75 = arith.constant 0 : i32
      %dma_start3A_76 = tpu.memref_slice %arg10[%add3A_72, %dma_start3A_75] : memref<16384x128xi32, #tpu.memory_space<hbm>> -> memref<256x128xi32, #tpu.memory_space<hbm>>
      tpu.enqueue_dma source(%arg15 : memref<256x128xi32, #tpu.memory_space<vmem>>) target(%dma_start3A_76 : memref<256x128xi32, #tpu.memory_space<hbm>>) target_semaphore(%run_scoped3A : memref<!tpu.dma_semaphore, #tpu.memory_space<semaphore_mem>>)
      %dma_wait3A_77 = arith.constant 0 : i32
      %dma_wait3A_78 = tpu.memref_slice %arg10[%add3A_72, %dma_wait3A_77] : memref<16384x128xi32, #tpu.memory_space<hbm>> -> memref<256x128xi32, #tpu.memory_space<hbm>>
      %dma_wait3A_79 = arith.constant 0 : i32
      %dma_wait3A_80 = tpu.memref_slice %arg10[%add3A_72, %dma_wait3A_79] : memref<16384x128xi32, #tpu.memory_space<hbm>> -> memref<256x128xi32, #tpu.memory_space<hbm>>
      tpu.wait_dma2 semaphore(%run_scoped3A : memref<!tpu.dma_semaphore, #tpu.memory_space<semaphore_mem>>) src(%arg15 : memref<256x128xi32, #tpu.memory_space<vmem>>) dst(%dma_wait3A_80 : memref<256x128xi32, #tpu.memory_space<hbm>>)
      tpu.yield
    }) : () -> ()
    return
  }
}

module attributes {stable_mosaic.version = 14 : i64} {
  func.func @_pack_body(%arg0: i32, %arg1: memref<64x16384xf32, #tpu.memory_space<vmem>>, %arg2: memref<4096x128xi32, #tpu.memory_space<vmem>>) attributes {dimension_semantics = [#tpu.dimension_semantics<arbitrary>], iteration_bounds = array<i64: 7>, scalar_prefetch = 0 : i64, scratch_operands = 0 : i64, tpu.core_type = #tpu.core_type<tc>, window_params = [{transform_indices = @transform_0, window_bounds = array<i64: 64, 16384>}, {transform_indices = @transform_1, window_bounds = array<i64: 4096, 128>}]} {
    %get3A = arith.constant 0 : index
    %get3A_0 = arith.constant 0 : index
    %get3A_1 = vector.load %arg1[%get3A, %get3A_0] : memref<64x16384xf32, #tpu.memory_space<vmem>>, vector<64x16384xf32>
    %bitcast_convert_type3A = tpu.bitcast %get3A_1 : vector<64x16384xf32> -> vector<64x16384xi32>
    %add3A = arith.constant 32767 : i32
    %add3A_2 = vector.broadcast %add3A : i32 to vector<64x16384xi32>
    %add3A_3 = arith.addi %bitcast_convert_type3A, %add3A_2 : vector<64x16384xi32>
    %shift_right_logical3A = arith.constant 16 : i32
    %shift_right_logical3A_4 = vector.broadcast %shift_right_logical3A : i32 to vector<64x16384xi32>
    %shift_right_logical3A_5 = arith.shrui %bitcast_convert_type3A, %shift_right_logical3A_4 : vector<64x16384xi32>
    %and3A = arith.constant 1 : i32
    %and3A_6 = vector.broadcast %and3A : i32 to vector<64x16384xi32>
    %and3A_7 = arith.andi %shift_right_logical3A_5, %and3A_6 : vector<64x16384xi32>
    %add3A_8 = arith.addi %add3A_3, %and3A_7 : vector<64x16384xi32>
    %shift_right_logical3A_9 = arith.constant 16 : i32
    %shift_right_logical3A_10 = vector.broadcast %shift_right_logical3A_9 : i32 to vector<64x16384xi32>
    %shift_right_logical3A_11 = arith.shrui %add3A_8, %shift_right_logical3A_10 : vector<64x16384xi32>
    %transpose3A = tpu.transpose %shift_right_logical3A_11, [1, 0] : vector<64x16384xi32> -> vector<16384x64xi32>
    %reshape3A = vector.shape_cast %transpose3A : vector<16384x64xi32> to vector<4096x4x64xi32>
    %slice3A = vector.extract_strided_slice %reshape3A {offsets = [0, 0, 0], sizes = [4096, 1, 64], strides = [1, 1, 1]} : vector<4096x4x64xi32> to vector<4096x1x64xi32>
    %squeeze3A = vector.shape_cast %slice3A : vector<4096x1x64xi32> to vector<4096x64xi32>
    %slice3A_12 = vector.extract_strided_slice %reshape3A {offsets = [0, 1, 0], sizes = [4096, 1, 64], strides = [1, 1, 1]} : vector<4096x4x64xi32> to vector<4096x1x64xi32>
    %squeeze3A_13 = vector.shape_cast %slice3A_12 : vector<4096x1x64xi32> to vector<4096x64xi32>
    %shift_left3A = arith.constant 16 : i32
    %shift_left3A_14 = vector.broadcast %shift_left3A : i32 to vector<4096x64xi32>
    %shift_left3A_15 = arith.shli %squeeze3A_13, %shift_left3A_14 : vector<4096x64xi32>
    %or3A = arith.ori %squeeze3A, %shift_left3A_15 : vector<4096x64xi32>
    %slice3A_16 = vector.extract_strided_slice %reshape3A {offsets = [0, 2, 0], sizes = [4096, 1, 64], strides = [1, 1, 1]} : vector<4096x4x64xi32> to vector<4096x1x64xi32>
    %squeeze3A_17 = vector.shape_cast %slice3A_16 : vector<4096x1x64xi32> to vector<4096x64xi32>
    %slice3A_18 = vector.extract_strided_slice %reshape3A {offsets = [0, 3, 0], sizes = [4096, 1, 64], strides = [1, 1, 1]} : vector<4096x4x64xi32> to vector<4096x1x64xi32>
    %squeeze3A_19 = vector.shape_cast %slice3A_18 : vector<4096x1x64xi32> to vector<4096x64xi32>
    %shift_left3A_20 = arith.constant 16 : i32
    %shift_left3A_21 = vector.broadcast %shift_left3A_20 : i32 to vector<4096x64xi32>
    %shift_left3A_22 = arith.shli %squeeze3A_19, %shift_left3A_21 : vector<4096x64xi32>
    %or3A_23 = arith.ori %squeeze3A_17, %shift_left3A_22 : vector<4096x64xi32>
    %concatenate3A = tpu.concatenate %or3A, %or3A_23 in 1 : vector<4096x64xi32>, vector<4096x64xi32> -> vector<4096x128xi32>
    %swap3A = arith.constant 0 : index
    %swap3A_24 = arith.constant 0 : index
    %swap3A_25 = vector.load %arg2[%swap3A, %swap3A_24] : memref<4096x128xi32, #tpu.memory_space<vmem>>, vector<4096x128xi32>
    tpu.vector_store %arg2[%swap3A, %swap3A_24], %concatenate3A {strides = array<i32>} : memref<4096x128xi32, #tpu.memory_space<vmem>>, vector<4096x128xi32>,
    return
  }
  func.func @transform_0(%arg0: i32) -> (i32, i32) {
    %c0_i32 = arith.constant 0 : i32
    %c0_i32_0 = arith.constant 0 : i32
    return %c0_i32, %arg0 : i32, i32
  }
  func.func @transform_1(%arg0: i32) -> (i32, i32) {
    %c0_i32 = arith.constant 0 : i32
    %c0_i32_0 = arith.constant 0 : i32
    return %arg0, %c0_i32 : i32, i32
  }
}

module attributes {stable_mosaic.version = 14 : i64} {
  func.func @_pack_body(%arg0: i32, %arg1: memref<64x16384xf32, #tpu.memory_space<vmem>>, %arg2: memref<4096x128xi32, #tpu.memory_space<vmem>>) attributes {dimension_semantics = [#tpu.dimension_semantics<arbitrary>], iteration_bounds = array<i64: 62>, scalar_prefetch = 0 : i64, scratch_operands = 0 : i64, tpu.core_type = #tpu.core_type<tc>, window_params = [{transform_indices = @transform_0, window_bounds = array<i64: 64, 16384>}, {transform_indices = @transform_1, window_bounds = array<i64: 4096, 128>}]} {
    %get3A = arith.constant 0 : index
    %get3A_0 = arith.constant 0 : index
    %get3A_1 = vector.load %arg1[%get3A, %get3A_0] : memref<64x16384xf32, #tpu.memory_space<vmem>>, vector<64x16384xf32>
    %bitcast_convert_type3A = tpu.bitcast %get3A_1 : vector<64x16384xf32> -> vector<64x16384xi32>
    %add3A = arith.constant 32767 : i32
    %add3A_2 = vector.broadcast %add3A : i32 to vector<64x16384xi32>
    %add3A_3 = arith.addi %bitcast_convert_type3A, %add3A_2 : vector<64x16384xi32>
    %shift_right_logical3A = arith.constant 16 : i32
    %shift_right_logical3A_4 = vector.broadcast %shift_right_logical3A : i32 to vector<64x16384xi32>
    %shift_right_logical3A_5 = arith.shrui %bitcast_convert_type3A, %shift_right_logical3A_4 : vector<64x16384xi32>
    %and3A = arith.constant 1 : i32
    %and3A_6 = vector.broadcast %and3A : i32 to vector<64x16384xi32>
    %and3A_7 = arith.andi %shift_right_logical3A_5, %and3A_6 : vector<64x16384xi32>
    %add3A_8 = arith.addi %add3A_3, %and3A_7 : vector<64x16384xi32>
    %shift_right_logical3A_9 = arith.constant 16 : i32
    %shift_right_logical3A_10 = vector.broadcast %shift_right_logical3A_9 : i32 to vector<64x16384xi32>
    %shift_right_logical3A_11 = arith.shrui %add3A_8, %shift_right_logical3A_10 : vector<64x16384xi32>
    %transpose3A = tpu.transpose %shift_right_logical3A_11, [1, 0] : vector<64x16384xi32> -> vector<16384x64xi32>
    %reshape3A = vector.shape_cast %transpose3A : vector<16384x64xi32> to vector<4096x4x64xi32>
    %slice3A = vector.extract_strided_slice %reshape3A {offsets = [0, 0, 0], sizes = [4096, 1, 64], strides = [1, 1, 1]} : vector<4096x4x64xi32> to vector<4096x1x64xi32>
    %squeeze3A = vector.shape_cast %slice3A : vector<4096x1x64xi32> to vector<4096x64xi32>
    %slice3A_12 = vector.extract_strided_slice %reshape3A {offsets = [0, 1, 0], sizes = [4096, 1, 64], strides = [1, 1, 1]} : vector<4096x4x64xi32> to vector<4096x1x64xi32>
    %squeeze3A_13 = vector.shape_cast %slice3A_12 : vector<4096x1x64xi32> to vector<4096x64xi32>
    %shift_left3A = arith.constant 16 : i32
    %shift_left3A_14 = vector.broadcast %shift_left3A : i32 to vector<4096x64xi32>
    %shift_left3A_15 = arith.shli %squeeze3A_13, %shift_left3A_14 : vector<4096x64xi32>
    %or3A = arith.ori %squeeze3A, %shift_left3A_15 : vector<4096x64xi32>
    %slice3A_16 = vector.extract_strided_slice %reshape3A {offsets = [0, 2, 0], sizes = [4096, 1, 64], strides = [1, 1, 1]} : vector<4096x4x64xi32> to vector<4096x1x64xi32>
    %squeeze3A_17 = vector.shape_cast %slice3A_16 : vector<4096x1x64xi32> to vector<4096x64xi32>
    %slice3A_18 = vector.extract_strided_slice %reshape3A {offsets = [0, 3, 0], sizes = [4096, 1, 64], strides = [1, 1, 1]} : vector<4096x4x64xi32> to vector<4096x1x64xi32>
    %squeeze3A_19 = vector.shape_cast %slice3A_18 : vector<4096x1x64xi32> to vector<4096x64xi32>
    %shift_left3A_20 = arith.constant 16 : i32
    %shift_left3A_21 = vector.broadcast %shift_left3A_20 : i32 to vector<4096x64xi32>
    %shift_left3A_22 = arith.shli %squeeze3A_19, %shift_left3A_21 : vector<4096x64xi32>
    %or3A_23 = arith.ori %squeeze3A_17, %shift_left3A_22 : vector<4096x64xi32>
    %concatenate3A = tpu.concatenate %or3A, %or3A_23 in 1 : vector<4096x64xi32>, vector<4096x64xi32> -> vector<4096x128xi32>
    %swap3A = arith.constant 0 : index
    %swap3A_24 = arith.constant 0 : index
    %swap3A_25 = vector.load %arg2[%swap3A, %swap3A_24] : memref<4096x128xi32, #tpu.memory_space<vmem>>, vector<4096x128xi32>
    tpu.vector_store %arg2[%swap3A, %swap3A_24], %concatenate3A {strides = array<i32>} : memref<4096x128xi32, #tpu.memory_space<vmem>>, vector<4096x128xi32>,
    return
  }
  func.func @transform_0(%arg0: i32) -> (i32, i32) {
    %c0_i32 = arith.constant 0 : i32
    %c0_i32_0 = arith.constant 0 : i32
    return %c0_i32, %arg0 : i32, i32
  }
  func.func @transform_1(%arg0: i32) -> (i32, i32) {
    %c0_i32 = arith.constant 0 : i32
    %c0_i32_0 = arith.constant 0 : i32
    return %arg0, %c0_i32 : i32, i32
  }
}

module attributes {stable_mosaic.version = 14 : i64} {
  func.func @_mlp_body(%arg0: i32, %arg1: memref<2048x128xi32, #tpu.memory_space<vmem>>, %arg2: memref<2048x128xi32, #tpu.memory_space<vmem>>, %arg3: memref<2048x128xf32, #tpu.memory_space<vmem>>, %arg4: memref<2048x128xf32, #tpu.memory_space<vmem>>, %arg5: memref<2048x8xf32, #tpu.memory_space<vmem>>, %arg6: memref<2048x2xf32, #tpu.memory_space<vmem>>, %arg7: memref<2048x2xf32, #tpu.memory_space<vmem>>, %arg8: memref<64x256xf32, #tpu.memory_space<vmem>>, %arg9: memref<64x256xf32, #tpu.memory_space<vmem>>, %arg10: memref<128x256xf32, #tpu.memory_space<vmem>>, %arg11: memref<128x256xf32, #tpu.memory_space<vmem>>, %arg12: memref<8x16xf32, #tpu.memory_space<vmem>>, %arg13: memref<1x16xf32, #tpu.memory_space<vmem>>, %arg14: memref<16x256xf32, #tpu.memory_space<vmem>>, %arg15: memref<1x256xf32, #tpu.memory_space<vmem>>, %arg16: memref<256x128xf32, #tpu.memory_space<vmem>>, %arg17: memref<1x128xf32, #tpu.memory_space<vmem>>, %arg18: memref<128x64xf32, #tpu.memory_space<vmem>>, %arg19: memref<1x64xf32, #tpu.memory_space<vmem>>, %arg20: memref<2048x64xf32, #tpu.memory_space<vmem>>) attributes {dimension_semantics = [#tpu.dimension_semantics<arbitrary>], iteration_bounds = array<i64: 8>, scalar_prefetch = 0 : i64, scratch_operands = 0 : i64, tpu.core_type = #tpu.core_type<tc>, window_params = [{transform_indices = @transform_0, window_bounds = array<i64: 2048, 128>}, {transform_indices = @transform_1, window_bounds = array<i64: 2048, 128>}, {transform_indices = @transform_2, window_bounds = array<i64: 2048, 128>}, {transform_indices = @transform_3, window_bounds = array<i64: 2048, 128>}, {transform_indices = @transform_4, window_bounds = array<i64: 2048, 8>}, {transform_indices = @transform_5, window_bounds = array<i64: 2048, 2>}, {transform_indices = @transform_6, window_bounds = array<i64: 2048, 2>}, {pipeline_mode = #tpu.pipeline_mode<synchronous>, transform_indices = @transform_7, window_bounds = array<i64: 64, 256>}, {pipeline_mode = #tpu.pipeline_mode<synchronous>, transform_indices = @transform_8, window_bounds = array<i64: 64, 256>}, {pipeline_mode = #tpu.pipeline_mode<synchronous>, transform_indices = @transform_9, window_bounds = array<i64: 128, 256>}, {pipeline_mode = #tpu.pipeline_mode<synchronous>, transform_indices = @transform_10, window_bounds = array<i64: 128, 256>}, {pipeline_mode = #tpu.pipeline_mode<synchronous>, transform_indices = @transform_11, window_bounds = array<i64: 8, 16>}, {pipeline_mode = #tpu.pipeline_mode<synchronous>, transform_indices = @transform_12, window_bounds = array<i64: 1, 16>}, {pipeline_mode = #tpu.pipeline_mode<synchronous>, transform_indices = @transform_13, window_bounds = array<i64: 16, 256>}, {pipeline_mode = #tpu.pipeline_mode<synchronous>, transform_indices = @transform_14, window_bounds = array<i64: 1, 256>}, {pipeline_mode = #tpu.pipeline_mode<synchronous>, transform_indices = @transform_15, window_bounds = array<i64: 256, 128>}, {pipeline_mode = #tpu.pipeline_mode<synchronous>, transform_indices = @transform_16, window_bounds = array<i64: 1, 128>}, {pipeline_mode = #tpu.pipeline_mode<synchronous>, transform_indices = @transform_17, window_bounds = array<i64: 128, 64>}, {pipeline_mode = #tpu.pipeline_mode<synchronous>, transform_indices = @transform_18, window_bounds = array<i64: 1, 64>}, {transform_indices = @transform_19, window_bounds = array<i64: 2048, 64>}]} {
    %get3A = arith.constant 0 : index
    %get3A_0 = arith.constant 0 : index
    %get3A_1 = vector.load %arg1[%get3A, %get3A_0] : memref<2048x128xi32, #tpu.memory_space<vmem>>, vector<2048x128xi32>
    %get3A_2 = arith.constant 0 : index
    %get3A_3 = arith.constant 0 : index
    %get3A_4 = vector.load %arg6[%get3A_2, %get3A_3] : memref<2048x2xf32, #tpu.memory_space<vmem>>, vector<2048x1xf32>
    %get3A_5 = arith.constant 0 : index
    %get3A_6 = arith.constant 1 : index
    %get3A_7 = vector.load %arg6[%get3A_5, %get3A_6] : memref<2048x2xf32, #tpu.memory_space<vmem>>, vector<2048x1xf32>
    %gt3A = arith.constant 5.000000e-01 : f32
    %gt3A_8 = vector.broadcast %gt3A : f32 to vector<2048x1xf32>
    %gt3A_9 = arith.cmpf ogt, %get3A_4, %gt3A_8 : vector<2048x1xf32>
    %slice3A = vector.extract_strided_slice %get3A_1 {offsets = [0, 64], sizes = [2048, 64], strides = [1, 1]} : vector<2048x128xi32> to vector<2048x64xi32>
    %slice3A_10 = vector.extract_strided_slice %get3A_1 {offsets = [0, 0], sizes = [2048, 64], strides = [1, 1]} : vector<2048x128xi32> to vector<2048x64xi32>
    %broadcast_in_dim3A = vector.shape_cast %gt3A_9 : vector<2048x1xi1> to vector<2048x1xi1>
    %broadcast_in_dim3A_11 = vector.broadcast %broadcast_in_dim3A : vector<2048x1xi1> to vector<2048x64xi1>
    %select_n3A = arith.select %broadcast_in_dim3A_11, %slice3A, %slice3A_10 : vector<2048x64xi1>, vector<2048x64xi32>
    %shift_left3A = arith.constant 16 : i32
    %shift_left3A_12 = vector.broadcast %shift_left3A : i32 to vector<2048x64xi32>
    %shift_left3A_13 = arith.shli %select_n3A, %shift_left3A_12 : vector<2048x64xi32>
    %bitcast_convert_type3A = tpu.bitcast %shift_left3A_13 : vector<2048x64xi32> -> vector<2048x64xf32>
    %and3A = arith.constant -65536 : i32
    %and3A_14 = vector.broadcast %and3A : i32 to vector<2048x64xi32>
    %and3A_15 = arith.andi %select_n3A, %and3A_14 : vector<2048x64xi32>
    %bitcast_convert_type3A_16 = tpu.bitcast %and3A_15 : vector<2048x64xi32> -> vector<2048x64xf32>
    %gt3A_17 = arith.constant 5.000000e-01 : f32
    %gt3A_18 = vector.broadcast %gt3A_17 : f32 to vector<2048x1xf32>
    %gt3A_19 = arith.cmpf ogt, %get3A_7, %gt3A_18 : vector<2048x1xf32>
    %broadcast_in_dim3A_20 = vector.shape_cast %gt3A_19 : vector<2048x1xi1> to vector<2048x1xi1>
    %broadcast_in_dim3A_21 = vector.broadcast %broadcast_in_dim3A_20 : vector<2048x1xi1> to vector<2048x64xi1>
    %select_n3A_22 = arith.select %broadcast_in_dim3A_21, %bitcast_convert_type3A_16, %bitcast_convert_type3A : vector<2048x64xi1>, vector<2048x64xf32>
    %get3A_23 = arith.constant 0 : index
    %get3A_24 = arith.constant 0 : index
    %get3A_25 = vector.load %arg2[%get3A_23, %get3A_24] : memref<2048x128xi32, #tpu.memory_space<vmem>>, vector<2048x128xi32>
    %get3A_26 = arith.constant 0 : index
    %get3A_27 = arith.constant 0 : index
    %get3A_28 = vector.load %arg7[%get3A_26, %get3A_27] : memref<2048x2xf32, #tpu.memory_space<vmem>>, vector<2048x1xf32>
    %get3A_29 = arith.constant 0 : index
    %get3A_30 = arith.constant 1 : index
    %get3A_31 = vector.load %arg7[%get3A_29, %get3A_30] : memref<2048x2xf32, #tpu.memory_space<vmem>>, vector<2048x1xf32>
    %gt3A_32 = arith.constant 5.000000e-01 : f32
    %gt3A_33 = vector.broadcast %gt3A_32 : f32 to vector<2048x1xf32>
    %gt3A_34 = arith.cmpf ogt, %get3A_28, %gt3A_33 : vector<2048x1xf32>
    %slice3A_35 = vector.extract_strided_slice %get3A_25 {offsets = [0, 64], sizes = [2048, 64], strides = [1, 1]} : vector<2048x128xi32> to vector<2048x64xi32>
    %slice3A_36 = vector.extract_strided_slice %get3A_25 {offsets = [0, 0], sizes = [2048, 64], strides = [1, 1]} : vector<2048x128xi32> to vector<2048x64xi32>
    %broadcast_in_dim3A_37 = vector.shape_cast %gt3A_34 : vector<2048x1xi1> to vector<2048x1xi1>
    %broadcast_in_dim3A_38 = vector.broadcast %broadcast_in_dim3A_37 : vector<2048x1xi1> to vector<2048x64xi1>
    %select_n3A_39 = arith.select %broadcast_in_dim3A_38, %slice3A_35, %slice3A_36 : vector<2048x64xi1>, vector<2048x64xi32>
    %shift_left3A_40 = arith.constant 16 : i32
    %shift_left3A_41 = vector.broadcast %shift_left3A_40 : i32 to vector<2048x64xi32>
    %shift_left3A_42 = arith.shli %select_n3A_39, %shift_left3A_41 : vector<2048x64xi32>
    %bitcast_convert_type3A_43 = tpu.bitcast %shift_left3A_42 : vector<2048x64xi32> -> vector<2048x64xf32>
    %and3A_44 = arith.constant -65536 : i32
    %and3A_45 = vector.broadcast %and3A_44 : i32 to vector<2048x64xi32>
    %and3A_46 = arith.andi %select_n3A_39, %and3A_45 : vector<2048x64xi32>
    %bitcast_convert_type3A_47 = tpu.bitcast %and3A_46 : vector<2048x64xi32> -> vector<2048x64xf32>
    %gt3A_48 = arith.constant 5.000000e-01 : f32
    %gt3A_49 = vector.broadcast %gt3A_48 : f32 to vector<2048x1xf32>
    %gt3A_50 = arith.cmpf ogt, %get3A_31, %gt3A_49 : vector<2048x1xf32>
    %broadcast_in_dim3A_51 = vector.shape_cast %gt3A_50 : vector<2048x1xi1> to vector<2048x1xi1>
    %broadcast_in_dim3A_52 = vector.broadcast %broadcast_in_dim3A_51 : vector<2048x1xi1> to vector<2048x64xi1>
    %select_n3A_53 = arith.select %broadcast_in_dim3A_52, %bitcast_convert_type3A_47, %bitcast_convert_type3A_43 : vector<2048x64xi1>, vector<2048x64xf32>
    %get3A_54 = arith.constant 0 : index
    %get3A_55 = arith.constant 0 : index
    %get3A_56 = vector.load %arg8[%get3A_54, %get3A_55] : memref<64x256xf32, #tpu.memory_space<vmem>>, vector<64x256xf32>
    %dot_general3A = arith.constant dense<0.000000e+00> : vector<2048x256xf32>
    %dot_general3A_57 = tpu.matmul %select_n3A_22, %get3A_56, %dot_general3A {dimension_numbers = #tpu.dot_dimension_numbers<[1], [0], [0], [1], [0, 0, 1, 1], [], []>, transpose_lhs_hint = false} : vector<2048x64xf32>, vector<64x256xf32>, vector<2048x256xf32> -> vector<2048x256xf32>
    %get3A_58 = arith.constant 0 : index
    %get3A_59 = arith.constant 0 : index
    %get3A_60 = vector.load %arg9[%get3A_58, %get3A_59] : memref<64x256xf32, #tpu.memory_space<vmem>>, vector<64x256xf32>
    %dot_general3A_61 = arith.constant dense<0.000000e+00> : vector<2048x256xf32>
    %dot_general3A_62 = tpu.matmul %select_n3A_53, %get3A_60, %dot_general3A_61 {dimension_numbers = #tpu.dot_dimension_numbers<[1], [0], [0], [1], [0, 0, 1, 1], [], []>, transpose_lhs_hint = false} : vector<2048x64xf32>, vector<64x256xf32>, vector<2048x256xf32> -> vector<2048x256xf32>
    %add3A = arith.addf %dot_general3A_57, %dot_general3A_62 : vector<2048x256xf32>
    %get3A_63 = arith.constant 0 : index
    %get3A_64 = arith.constant 0 : index
    %get3A_65 = vector.load %arg3[%get3A_63, %get3A_64] : memref<2048x128xf32, #tpu.memory_space<vmem>>, vector<2048x128xf32>
    %get3A_66 = arith.constant 0 : index
    %get3A_67 = arith.constant 0 : index
    %get3A_68 = vector.load %arg10[%get3A_66, %get3A_67] : memref<128x256xf32, #tpu.memory_space<vmem>>, vector<128x256xf32>
    %dot_general3A_69 = arith.constant dense<0.000000e+00> : vector<2048x256xf32>
    %dot_general3A_70 = tpu.matmul %get3A_65, %get3A_68, %dot_general3A_69 {dimension_numbers = #tpu.dot_dimension_numbers<[1], [0], [0], [1], [0, 0, 1, 1], [], []>, transpose_lhs_hint = false} : vector<2048x128xf32>, vector<128x256xf32>, vector<2048x256xf32> -> vector<2048x256xf32>
    %add3A_71 = arith.addf %add3A, %dot_general3A_70 : vector<2048x256xf32>
    %get3A_72 = arith.constant 0 : index
    %get3A_73 = arith.constant 0 : index
    %get3A_74 = vector.load %arg4[%get3A_72, %get3A_73] : memref<2048x128xf32, #tpu.memory_space<vmem>>, vector<2048x128xf32>
    %get3A_75 = arith.constant 0 : index
    %get3A_76 = arith.constant 0 : index
    %get3A_77 = vector.load %arg11[%get3A_75, %get3A_76] : memref<128x256xf32, #tpu.memory_space<vmem>>, vector<128x256xf32>
    %dot_general3A_78 = arith.constant dense<0.000000e+00> : vector<2048x256xf32>
    %dot_general3A_79 = tpu.matmul %get3A_74, %get3A_77, %dot_general3A_78 {dimension_numbers = #tpu.dot_dimension_numbers<[1], [0], [0], [1], [0, 0, 1, 1], [], []>, transpose_lhs_hint = false} : vector<2048x128xf32>, vector<128x256xf32>, vector<2048x256xf32> -> vector<2048x256xf32>
    %add3A_80 = arith.addf %add3A_71, %dot_general3A_79 : vector<2048x256xf32>
    %get3A_81 = arith.constant 0 : index
    %get3A_82 = arith.constant 0 : index
    %get3A_83 = vector.load %arg5[%get3A_81, %get3A_82] : memref<2048x8xf32, #tpu.memory_space<vmem>>, vector<2048x8xf32>
    %get3A_84 = arith.constant 0 : index
    %get3A_85 = arith.constant 0 : index
    %get3A_86 = vector.load %arg12[%get3A_84, %get3A_85] : memref<8x16xf32, #tpu.memory_space<vmem>>, vector<8x16xf32>
    %dot_general3A_87 = arith.constant dense<0.000000e+00> : vector<2048x16xf32>
    %dot_general3A_88 = tpu.matmul %get3A_83, %get3A_86, %dot_general3A_87 {dimension_numbers = #tpu.dot_dimension_numbers<[1], [0], [0], [1], [0, 0, 1, 1], [], []>, transpose_lhs_hint = false} : vector<2048x8xf32>, vector<8x16xf32>, vector<2048x16xf32> -> vector<2048x16xf32>
    %get3A_89 = arith.constant 0 : index
    %get3A_90 = arith.constant 0 : index
    %get3A_91 = vector.load %arg13[%get3A_89, %get3A_90] : memref<1x16xf32, #tpu.memory_space<vmem>>, vector<1x16xf32>
    %add3A_92 = vector.broadcast %get3A_91 : vector<1x16xf32> to vector<2048x16xf32>
    %add3A_93 = arith.addf %dot_general3A_88, %add3A_92 : vector<2048x16xf32>
    %get3A_94 = arith.constant 0 : index
    %get3A_95 = arith.constant 0 : index
    %get3A_96 = vector.load %arg14[%get3A_94, %get3A_95] : memref<16x256xf32, #tpu.memory_space<vmem>>, vector<16x256xf32>
    %dot_general3A_97 = arith.constant dense<0.000000e+00> : vector<2048x256xf32>
    %dot_general3A_98 = tpu.matmul %add3A_93, %get3A_96, %dot_general3A_97 {dimension_numbers = #tpu.dot_dimension_numbers<[1], [0], [0], [1], [0, 0, 1, 1], [], []>, transpose_lhs_hint = false} : vector<2048x16xf32>, vector<16x256xf32>, vector<2048x256xf32> -> vector<2048x256xf32>
    %add3A_99 = arith.addf %add3A_80, %dot_general3A_98 : vector<2048x256xf32>
    %get3A_100 = arith.constant 0 : index
    %get3A_101 = arith.constant 0 : index
    %get3A_102 = vector.load %arg15[%get3A_100, %get3A_101] : memref<1x256xf32, #tpu.memory_space<vmem>>, vector<1x256xf32>
    %add3A_103 = vector.broadcast %get3A_102 : vector<1x256xf32> to vector<2048x256xf32>
    %add3A_104 = arith.addf %add3A_99, %add3A_103 : vector<2048x256xf32>
    %max3A = arith.constant 0.000000e+00 : f32
    %max3A_105 = vector.broadcast %max3A : f32 to vector<2048x256xf32>
    %max3A_106 = arith.maximumf %add3A_104, %max3A_105 : vector<2048x256xf32>
    %get3A_107 = arith.constant 0 : index
    %get3A_108 = arith.constant 0 : index
    %get3A_109 = vector.load %arg16[%get3A_107, %get3A_108] : memref<256x128xf32, #tpu.memory_space<vmem>>, vector<256x128xf32>
    %dot_general3A_110 = arith.constant dense<0.000000e+00> : vector<2048x128xf32>
    %dot_general3A_111 = tpu.matmul %max3A_106, %get3A_109, %dot_general3A_110 {dimension_numbers = #tpu.dot_dimension_numbers<[1], [0], [0], [1], [0, 0, 1, 1], [], []>, transpose_lhs_hint = false} : vector<2048x256xf32>, vector<256x128xf32>, vector<2048x128xf32> -> vector<2048x128xf32>
    %get3A_112 = arith.constant 0 : index
    %get3A_113 = arith.constant 0 : index
    %get3A_114 = vector.load %arg17[%get3A_112, %get3A_113] : memref<1x128xf32, #tpu.memory_space<vmem>>, vector<1x128xf32>
    %add3A_115 = vector.broadcast %get3A_114 : vector<1x128xf32> to vector<2048x128xf32>
    %add3A_116 = arith.addf %dot_general3A_111, %add3A_115 : vector<2048x128xf32>
    %max3A_117 = arith.constant 0.000000e+00 : f32
    %max3A_118 = vector.broadcast %max3A_117 : f32 to vector<2048x128xf32>
    %max3A_119 = arith.maximumf %add3A_116, %max3A_118 : vector<2048x128xf32>
    %get3A_120 = arith.constant 0 : index
    %get3A_121 = arith.constant 0 : index
    %get3A_122 = vector.load %arg18[%get3A_120, %get3A_121] : memref<128x64xf32, #tpu.memory_space<vmem>>, vector<128x64xf32>
    %dot_general3A_123 = arith.constant dense<0.000000e+00> : vector<2048x64xf32>
    %dot_general3A_124 = tpu.matmul %max3A_119, %get3A_122, %dot_general3A_123 {dimension_numbers = #tpu.dot_dimension_numbers<[1], [0], [0], [1], [0, 0, 1, 1], [], []>, transpose_lhs_hint = false} : vector<2048x128xf32>, vector<128x64xf32>, vector<2048x64xf32> -> vector<2048x64xf32>
    %get3A_125 = arith.constant 0 : index
    %get3A_126 = arith.constant 0 : index
    %get3A_127 = vector.load %arg19[%get3A_125, %get3A_126] : memref<1x64xf32, #tpu.memory_space<vmem>>, vector<1x64xf32>
    %add3A_128 = vector.broadcast %get3A_127 : vector<1x64xf32> to vector<2048x64xf32>
    %add3A_129 = arith.addf %dot_general3A_124, %add3A_128 : vector<2048x64xf32>
    %swap3A = arith.constant 0 : index
    %swap3A_130 = arith.constant 0 : index
    %swap3A_131 = vector.load %arg20[%swap3A, %swap3A_130] : memref<2048x64xf32, #tpu.memory_space<vmem>>, vector<2048x64xf32>
    tpu.vector_store %arg20[%swap3A, %swap3A_130], %add3A_129 {strides = array<i32>} : memref<2048x64xf32, #tpu.memory_space<vmem>>, vector<2048x64xf32>,
    return
  }
  func.func @transform_0(%arg0: i32) -> (i32, i32) {
    %c0_i32 = arith.constant 0 : i32
    %c0_i32_0 = arith.constant 0 : i32
    return %arg0, %c0_i32 : i32, i32
  }
  func.func @transform_1(%arg0: i32) -> (i32, i32) {
    %c0_i32 = arith.constant 0 : i32
    %c0_i32_0 = arith.constant 0 : i32
    return %arg0, %c0_i32 : i32, i32
  }
  func.func @transform_2(%arg0: i32) -> (i32, i32) {
    %c0_i32 = arith.constant 0 : i32
    %c0_i32_0 = arith.constant 0 : i32
    return %arg0, %c0_i32 : i32, i32
  }
  func.func @transform_3(%arg0: i32) -> (i32, i32) {
    %c0_i32 = arith.constant 0 : i32
    %c0_i32_0 = arith.constant 0 : i32
    return %arg0, %c0_i32 : i32, i32
  }
  func.func @transform_4(%arg0: i32) -> (i32, i32) {
    %c0_i32 = arith.constant 0 : i32
    %c0_i32_0 = arith.constant 0 : i32
    return %arg0, %c0_i32 : i32, i32
  }
  func.func @transform_5(%arg0: i32) -> (i32, i32) {
    %c0_i32 = arith.constant 0 : i32
    %c0_i32_0 = arith.constant 0 : i32
    return %arg0, %c0_i32 : i32, i32
  }
  func.func @transform_6(%arg0: i32) -> (i32, i32) {
    %c0_i32 = arith.constant 0 : i32
    %c0_i32_0 = arith.constant 0 : i32
    return %arg0, %c0_i32 : i32, i32
  }
  func.func @transform_7(%arg0: i32) -> (i32, i32) {
    %c0_i32 = arith.constant 0 : i32
    %c0_i32_0 = arith.constant 0 : i32
    %c0_i32_1 = arith.constant 0 : i32
    return %c0_i32, %c0_i32_0 : i32, i32
  }
  func.func @transform_8(%arg0: i32) -> (i32, i32) {
    %c0_i32 = arith.constant 0 : i32
    %c0_i32_0 = arith.constant 0 : i32
    %c0_i32_1 = arith.constant 0 : i32
    return %c0_i32, %c0_i32_0 : i32, i32
  }
  func.func @transform_9(%arg0: i32) -> (i32, i32) {
    %c0_i32 = arith.constant 0 : i32
    %c0_i32_0 = arith.constant 0 : i32
    %c0_i32_1 = arith.constant 0 : i32
    return %c0_i32, %c0_i32_0 : i32, i32
  }
  func.func @transform_10(%arg0: i32) -> (i32, i32) {
    %c0_i32 = arith.constant 0 : i32
    %c0_i32_0 = arith.constant 0 : i32
    %c0_i32_1 = arith.constant 0 : i32
    return %c0_i32, %c0_i32_0 : i32, i32
  }
  func.func @transform_11(%arg0: i32) -> (i32, i32) {
    %c0_i32 = arith.constant 0 : i32
    %c0_i32_0 = arith.constant 0 : i32
    %c0_i32_1 = arith.constant 0 : i32
    return %c0_i32, %c0_i32_0 : i32, i32
  }
  func.func @transform_12(%arg0: i32) -> (i32, i32) {
    %c0_i32 = arith.constant 0 : i32
    %c0_i32_0 = arith.constant 0 : i32
    %c0_i32_1 = arith.constant 0 : i32
    return %c0_i32, %c0_i32_0 : i32, i32
  }
  func.func @transform_13(%arg0: i32) -> (i32, i32) {
    %c0_i32 = arith.constant 0 : i32
    %c0_i32_0 = arith.constant 0 : i32
    %c0_i32_1 = arith.constant 0 : i32
    return %c0_i32, %c0_i32_0 : i32, i32
  }
  func.func @transform_14(%arg0: i32) -> (i32, i32) {
    %c0_i32 = arith.constant 0 : i32
    %c0_i32_0 = arith.constant 0 : i32
    %c0_i32_1 = arith.constant 0 : i32
    return %c0_i32, %c0_i32_0 : i32, i32
  }
  func.func @transform_15(%arg0: i32) -> (i32, i32) {
    %c0_i32 = arith.constant 0 : i32
    %c0_i32_0 = arith.constant 0 : i32
    %c0_i32_1 = arith.constant 0 : i32
    return %c0_i32, %c0_i32_0 : i32, i32
  }
  func.func @transform_16(%arg0: i32) -> (i32, i32) {
    %c0_i32 = arith.constant 0 : i32
    %c0_i32_0 = arith.constant 0 : i32
    %c0_i32_1 = arith.constant 0 : i32
    return %c0_i32, %c0_i32_0 : i32, i32
  }
  func.func @transform_17(%arg0: i32) -> (i32, i32) {
    %c0_i32 = arith.constant 0 : i32
    %c0_i32_0 = arith.constant 0 : i32
    %c0_i32_1 = arith.constant 0 : i32
    return %c0_i32, %c0_i32_0 : i32, i32
  }
  func.func @transform_18(%arg0: i32) -> (i32, i32) {
    %c0_i32 = arith.constant 0 : i32
    %c0_i32_0 = arith.constant 0 : i32
    %c0_i32_1 = arith.constant 0 : i32
    return %c0_i32, %c0_i32_0 : i32, i32
  }
  func.func @transform_19(%arg0: i32) -> (i32, i32) {
    %c0_i32 = arith.constant 0 : i32
    %c0_i32_0 = arith.constant 0 : i32
    return %arg0, %c0_i32 : i32, i32
  }
}

</mosaic_0001>

<sc_bundles>
// kernel: sc_gather_small.3.cloned.1.call-start
scs
__scs_entry_jumppad:
0x0: {  	(pc) =	sbr.rel $0x88, $3  }
0x1: {  	(tag) =	ssettag $0x0;
	lr =	simm.s32 $0x1  }
0x2: {  	[smem:$0x3F90] =	sst lr;
	_ =	strace $0xD0000000  }
0x3: {  	_ = 	snop  }
0x4: {  	_ = 	snop  }
0x5: {  	_ = 	snop  }
0x6: {  	_ = 	snop  }
0x7: {  	_ = 	snop  }
__scs_overlays_trampoline_lowered:
0x8: {  	[smem:$0x3F9F] =	sst s0  }
0x9: {  	[smem:$0x3FA0] =	sst s1  }
0xa: {  	[smem:$0x3FA1] =	sst s2  }
0xb: {  	[smem:$0x3FA2] =	sst s3  }
0xc: {  	[smem:$0x3FA3] =	sst s4  }
0xd: {  	[smem:$0x3FA4] =	sst s5  }
0xe: {  	[smem:$0x3FA5] =	sst s6  }
0xf: {  	[smem:$0x3FA6] =	sst s7  }
0x10: {  	[smem:$0x3FA7] =	sst s8  }
0x11: {  	[smem:$0x3FA8] =	sst s9;
	s0 =	simm.s32 @!p0 $0x0  }
0x12: {  	s1 =	sld [smem:$0x3F8E];
	s0 =	simm.s32 @p0 $0x1  }
0x13: {  	[smem:$0x3FA9] =	sst s0;
	s0 =	simm.s32 @!p1 $0x0  }
0x14: {  	s2 =	sld [smem:$0x3F8D];
	s0 =	simm.s32 @p1 $0x1  }
0x15: {  	[smem:$0x3FAA] =	sst s0;
	s0 =	simm.s32 @!p2 $0x0  }
0x16: {  	s3 =	sld [smem:$0x3FDB];
	s0 =	simm.s32 @p2 $0x1  }
0x17: {  	s4 =	simm.s32 $0x1BF5;
	[smem:$0x3FAC] =	sst s0  }
0x18: {  	s0 =	sld [smem:$0x3F8F];
	_ =	swait.ge [sflag:s4], $0x0  }
0x19: {  	s7 =	sld [smem:$0x3F90]  }
0x1a: {  	s8 =	sadd.s32 $0xFFFFE003, lr  }
0x1b: {  	s9 =	sadd.s32 $0xFFFFFEF7, lr;
	s5 =	simm.s32 $0xFFFFFFFF;
	p2 =	slt.u32 s8, $0xFFFFF086  }
0x1c: {  	p1 =	slt.u32 s9, $0xF7A;
	s5 =	simm.s32 @!p2 $0x0  }
0x1d: {  	s5 =	simm.s32 @p1 $0x1;
	p0 =	seq.s32 s7, s2  }
0x1e: {  	s7 =	smul.u32 @!p0 $0xF7A, s2;
	p2 =	seq.s32 @!p0 s5, $0x0  }
0x1f: {  	s9 =	smul.u32 $0xF7A, s1;
	s8 =	simm.s32 @!p0 $0x1BF5;
	p2 =	por !p2, p0  }
0x20: {  	[sflag:s8] =	ssyncset.s32 @!p0 $0xFFFFF086;
	s6 =	sadd.s32 @!p0 s3, s7;
	s7 =	simm.s32 @!p0 $0x108  }
0x21: {  	s3 =	sadd.s32 s3, s9;
	s6 =	sadd.s32 @!p0 $0x88, s6;
	s7 =	simm.s32 @p2 $0x1082  }
0x22: {  	[simem:s7], [sflag:s8] =	dma.local @!p0 [hbm:s6], $0xF7A  }
0x23: {  	s9 =	sor.u32 $0xD0000000, s2;
	s6 =	simm.s32 $0x108;
	_ =	swait.ge @!p0 [sflag:s8], $0x0  }
0x24: {  	s3 =	sadd.s32 $0x88, s3;
	s6 =	simm.s32 @!p1 $0x1082;
	[sflag:s4] =	ssyncset.s32 $0xFFFFF086  }
0x25: {  	[simem:s6], [sflag:s4] =	dma.local [hbm:s3], $0xF7A  }
0x26: {  	[smem:$0x3F90] =	sst s1;
	(tag) =	ssettag s2;
	_ =	strace s9  }
0x27: {  	s1 =	sld [smem:$0x3FA0]  }
0x28: {  	s2 =	sld [smem:$0x3FA1]  }
0x29: {  	s4 =	sld [smem:$0x3FA3]  }
0x2a: {  	p0 =	seq.s32 s5, $0x0;
	s5 =	sld [smem:$0x3FA4]  }
0x2b: {  	s6 =	sld [smem:$0x3FA5]  }
0x2c: {  	s7 =	sld [smem:$0x3FA6]  }
0x2d: {  	s3 =	simm.s32 $0x108;
	s8 =	sld [smem:$0x3FA7]  }
0x2e: {  	s3 =	simm.s32 @!p0 $0x1082;
	s9 =	sld [smem:$0x3FA8]  }
0x2f: {  	lr =	sadd.s32 s0, s3;
	s0 =	sld [smem:$0x3F9F]  }
0x30: {  	s3 =	sld [smem:$0x3FA2]  }
0x31: {  	[smem:$0x3FAB] =	sst s10  }
0x32: {  	s10 =	sld [smem:$0x3FA9];
	_ =	sdelay $0x3  }
0x33: {  	p0 =	seq.s32 s10, $0x1;
	s10 =	sld [smem:$0x3FAB];
	_ =	sdelay $0x3  }
0x34: {  	[smem:$0x3FAB] =	sst s10  }
0x35: {  	s10 =	sld [smem:$0x3FAA];
	_ =	sdelay $0x3  }
0x36: {  	p1 =	seq.s32 s10, $0x1;
	s10 =	sld [smem:$0x3FAB];
	_ =	sdelay $0x3  }
0x37: {  	[smem:$0x3FAB] =	sst s10  }
0x38: {  	s10 =	sld [smem:$0x3FAC]  }
0x39: {  	_ = 	snop;
	(pc) =	sbr.ind lr, $3  }
0x3a: {  	_ = 	snop  }
0x3b: {  	_ = 	snop  }
0x3c: {  	p2 =	seq.s32 s10, $0x1;
	s10 =	sld [smem:$0x3FAB]  }
0x3d: {  	_ =	shalt  }
0x3e: {  	_ =	shalt  }
0x3f: {  	_ =	shalt  }
0x40: {  	_ =	shalt  }
0x41: {  	_ =	shalt  }
0x42: {  	_ =	shalt  }
0x43: {  	_ =	shalt  }
0x44: {  	_ =	shalt  }
0x45: {  	_ =	shalt  }
0x46: {  	_ =	shalt  }
0x47: {  	_ =	shalt  }
0x48: {  	_ =	shalt  }
0x49: {  	_ =	shalt  }
0x4a: {  	_ =	shalt  }
0x4b: {  	_ =	shalt  }
0x4c: {  	_ =	shalt  }
0x4d: {  	_ =	shalt  }
0x4e: {  	_ =	shalt  }
0x4f: {  	_ =	shalt  }
0x50: {  	_ =	shalt  }
0x51: {  	_ =	shalt  }
0x52: {  	_ =	shalt  }
0x53: {  	_ =	shalt  }
0x54: {  	_ =	shalt  }
0x55: {  	_ =	shalt  }
0x56: {  	_ =	shalt  }
0x57: {  	_ =	shalt  }
0x58: {  	_ =	shalt  }
0x59: {  	_ =	shalt  }
0x5a: {  	_ =	shalt  }
0x5b: {  	_ =	shalt  }
0x5c: {  	_ =	shalt  }
0x5d: {  	_ =	shalt  }
0x5e: {  	_ =	shalt  }
0x5f: {  	_ =	shalt  }
0x60: {  	_ =	shalt  }
0x61: {  	_ =	shalt  }
0x62: {  	_ =	shalt  }
0x63: {  	_ =	shalt  }
0x64: {  	_ =	shalt  }
0x65: {  	_ =	shalt  }
0x66: {  	_ =	shalt  }
0x67: {  	_ =	shalt  }
0x68: {  	_ =	shalt  }
0x69: {  	_ =	shalt  }
0x6a: {  	_ =	shalt  }
0x6b: {  	_ =	shalt  }
0x6c: {  	_ =	shalt  }
0x6d: {  	_ =	shalt  }
0x6e: {  	_ =	shalt  }
0x6f: {  	_ =	shalt  }
0x70: {  	_ =	shalt  }
0x71: {  	_ =	shalt  }
0x72: {  	_ =	shalt  }
0x73: {  	_ =	shalt  }
0x74: {  	_ =	shalt  }
0x75: {  	_ =	shalt  }
0x76: {  	_ =	shalt  }
0x77: {  	_ =	shalt  }
0x78: {  	_ =	shalt  }
0x79: {  	_ =	shalt  }
0x7a: {  	_ =	shalt  }
0x7b: {  	_ =	shalt  }
0x7c: {  	_ =	shalt  }
0x7d: {  	_ =	shalt  }
0x7e: {  	_ =	shalt  }
0x7f: {  	_ =	shalt  }
0x80: {  	_ =	shalt  }
0x81: {  	_ =	shalt  }
0x82: {  	_ =	shalt  }
0x83: {  	_ =	shalt  }
0x84: {  	_ =	shalt  }
0x85: {  	_ =	shalt  }
0x86: {  	_ =	shalt  }
0x87: {  	_ =	shalt  }
.Lfunc_end0:
.L_simem_size_0:
called_computation_lowered:
.L_overlay_start_0:
0x88: {  	s2 =	sld [smem:$0x3FD9]  }
0x89: {  	s3 =	sld [smem:$0x3FFE];
	_ =	sdelay $0x1  }
0x8a: {  	s1 =	srdreg.scid  }
0x8b: {  	s0 =	sand.u32 $0x1, s1  }
0x8c: {  	s17 =	sshll.u32 s0, $0xA;
	s2 =	sadd.s32 s3, s2  }
0x8d: {  	s2 =	sadd.s32 s2, s17  }
0x8e: {  	[smem:$0x3FB7] =	sst s2  }
0x8f: {  	_ = 	snop  }
0x90: {  	s2 =	sld [smem:$0x3FC7]  }
0x91: {  	s18 =	sld [smem:$0x3FC6]  }
0x92: {  	s4 =	sld [smem:$0x3FD0];
	(tm) =	ssettm $0x1  }
0x93: {  	s5 =	sld [smem:$0x3FFB];
	_ =	sdelay $0x3  }
0x94: {  	_ =	strace s5  }
0x95: {  	s5 =	sld [smem:$0x3FFC];
	_ =	sdelay $0x3  }
0x96: {  	_ =	strace s5  }
0x97: {  	s5 =	sld [smem:$0x3FFD];
	_ =	sdelay $0x3  }
0x98: {  	_ =	strace s5  }
0x99: {  	_ =	strace $0x8FFFFFFF  }
0x9a: {  	s19 =	sld [smem:$0x3FDB];
	_ =	sdelay $0x1  }
0x9b: {  	s6 =	simm.s32 $_scs_section_size  }
0x9c: {  	s7 =	simm.s32 $_size__tile_overlayer_lowered;
	s8 =	simm.s32 $_tile_overlayer_lowered  }
0x9d: {  	s22 =	simm.s32 $0x1BFF;
	s21 =	sshll.u32 s8, $0x1;
	s5 =	sadd.s32 s6, s19  }
0x9e: {  	s9 =	simm.s32 $0x0;
	s20 =	sshll.u32 s7, $0x1;
	s7 =	sadd.s32 s21, s5  }
0x9f: {  	[timem:s9], [sflag:s22] =	dma.local [hbm:s7], s20  }
0xa0: {  	_ =	swait.ge [sflag:s22], s20  }
0xa1: {  	s6 =	ssub.s32 $0x0, s20;
	[sflag:s22] =	ssyncset.done $0x0  }
0xa2: {  	[sflag:s22] =	ssyncadd.s32 s6;
	_ =	sdelay $0x1  }
0xa3: {  	s23 =	simm.s32 $0x1B8B  }
0xa4: {  	_ =	swait.ge [sflag:s23], $0x1  }
0xa5: {  	[sflag:s23] =	ssyncset.done $0x0  }
0xa6: {  	s25 =	simm.s32 $0x1B8E;
	s24 =	sld [smem:$0x3FFE];
	[sflag:s23] =	ssyncadd.s32 $0xFFFFFFFF  }
0xa7: {  	s26 =	simm.s32 $execute0_lowered;
	[smem:$0x3FD2] =	sst s25  }
0xa8: {  	s7 =	sshll.u32 s26, $0x1;
	_ =	strace $0x80000046;
	[dreg:$0x1] =	wrdreg $0xFFFFFFFF  }
0xa9: {  	s28 =	simm.s32 $_size_execute0_lowered;
	s5 =	sadd.s32 s5, s7;
	[dreg:$0x0] =	wrdreg $0x0  }
0xaa: {  	s7 =	sshll.u32 s28, $0x1;
	[dreg:$0x2] =	wrdreg s5  }
0xab: {  	[dreg:$0x3] =	wrdreg s7  }
0xac: {  	[dreg:$0x4] =	wrdreg $0xC0  }
0xad: {  	_ =	task [dreg:s9], $0x5FFFF  }
0xae: {  	[dreg:$0x1] =	wrdreg $0xFFFFFFFF  }
0xaf: {  	[dreg:$0x0] =	wrdreg $0x60  }
0xb0: {  	[dreg:$0x2] =	wrdreg s24  }
0xb1: {  	[dreg:$0x3] =	wrdreg s2  }
0xb2: {  	[dreg:$0x4] =	wrdreg s18  }
0xb3: {  	[dreg:$0x5] =	wrdreg s4  }
0xb4: {  	[dreg:$0x6] =	wrdreg $0x9  }
0xb5: {  	_ =	task.clear_ibuf [dreg:s9], $0x7FFFF;
	_ =	strace $0x90000046  }
0xb6: {  	s29 =	simm.s32 $0x9;
	_ =	strace $0x80000048  }
0xb7: {  	_ =	swait.ge [sflag:s29], $0x1  }
0xb8: {  	[sflag:s29] =	ssyncadd.s32 $0xFFFFFFFF  }
0xb9: {  	_ =	strace $0x90000048  }
0xba: {  	_ =	sfence  }
0xbb: {  	s30 =	sld [smem:$0x0];
	_ =	sdelay $0x2  }
0xbc: {  	s31 =	sshll.u32 s1, $0xD;
	s1 =	sshrl.u32 s1, $0x2  }
0xbd: {  	s3 =	sand.u32 $0x4000, s31;
	s1 =	sadd.s32 s1, s30  }
0xbe: {  	s0 =	sor.u32 s3, s0;
	s1 =	sshll.u32 s1, $0x11  }
0xbf: {  	s0 =	sor.u32 s1, s0  }
0xc0: {  	s0 =	sadd.s32 $0x8F2B, s0  }
0xc1: {  	[sflag:s0] =	ssyncadd.remote.s32 $0x1  }
0xc2: {  	_ =	sfence.sel $0xFFFF  }
0xc3: {  	[dreg:$0x0] =	wrdreg $0xFFFFFFFF;
	(pc) =	sbr.abs _section_cstart, $3  }
0xc4: {  	[dreg:$0x1] =	wrdreg $0xFFFFFFFF  }
0xc5: {  	_ =	task.clear_ibuf [dreg:s9], $0x2FFFF;
	_ =	strace $0x9FFFFFFF  }
0xc6: {  	(tm) =	ssettm $0x7FFFFFFF  }
0xc7: {  	_ =	shalt  }
tec
execute0_lowered:
.L_overlay_start_1:
0x0: {  	(tag) =	ssettag $0x1  }
0x1: {  	s22 =	rddreg [dreg:$0x0];
	s1 =	srdreg.scid  }
0x2: {  	s6 =	rddreg [dreg:$0x1];
	s0 =	stileid.u32;
	s23 =	sand.u32 $0x1, s1  }
0x3: {  	s8 =	rddreg [dreg:$0x2];
	s30 =	sshll.u32 s0, $0xA;
	s3 =	sshll.u32 s23, $0x9  }
0x4: {  	s2 =	rddreg [dreg:$0x3];
	s15 =	sor.u32 s3, s30  }
0x5: {  	s1 =	rddreg [dreg:$0x4];
	s3 =	simm.s32 $0x0;
	s9 =	sshrl.u32 s15, $0x3  }
0x6: {  	[smem:$0x7FF] =	sst s3;
	s4 =	sadd.s32 s9, s22  }
0x7: {  	_ =	strace $0x80000047;
	s5 =	sadd.s32 $0x4800, s4;
	s4 =	simm.s32 $0x2  }
0x8: {  	[tilespmem:s3], [sflag:$0x2] =	stream.linear.gather [hbm4b:s5+s3], $0x200, $0x38;
	[tilespmem:$0x10600] =	vst v63  }
0x9: {  	_ =	swait.ge [sflag:s4], $0x200  }
0xa: {  	[sflag:s4] =	ssyncset.done $0x0  }
0xb: {  	s7 =	simm.s32 $0x200;
	s6 =	sadd.s32 s6, s9;
	[sflag:s4] =	ssyncadd.s32 $0xFFFFFE00  }
0xc: {  	[tilespmem:s7], [sflag:$0x2] =	stream.linear.gather [hbm4b:s6+s3], $0x200, $0x38;
	[tilespmem:$0x10600] =	vst v63  }
0xd: {  	_ =	swait.ge [sflag:s4], $0x200  }
0xe: {  	[sflag:s4] =	ssyncset.done $0x0  }
0xf: {  	s8 =	sadd.s32 s8, s9;
	s9 =	simm.s32 $0x400;
	[sflag:s4] =	ssyncadd.s32 $0xFFFFFE00  }
0x10: {  	[tilespmem:s9], [sflag:$0x2] =	stream.linear.gather [hbm4b:s8+s3], $0x200, $0x38;
	[tilespmem:$0x10600] =	vst v63  }
0x11: {  	_ =	swait.ge [sflag:s4], $0x200  }
0x12: {  	s11 =	simm.s32 $0x100;
	[sflag:s4] =	ssyncset.done $0x0  }
0x13: {  	s12 =	simm.s32 $0x600;
	s10 =	sadd.s32 $0x5000, s22;
	[sflag:s4] =	ssyncadd.s32 $0xFFFFFE00  }
0x14: {  	[tilespmem:s12], [sflag:$0x1] =	stream.indirect.gather [hbm4b:s10+s11], $0x80, s3, s11, $0xb8;
	[tilespmem:$0x10600] =	vst v63  }
0x15: {  	s13 =	simm.s32 $0x8600;
	s14 =	simm.s32 $0x1  }
0x16: {  	[tilespmem:s13], [sflag:$0x1] =	stream.indirect.gather [hbm4b:s10+s11], $0x80, s11, s11, $0xb8;
	[tilespmem:$0x10600] =	vst v63  }
0x17: {  	_ =	swait.ge [sflag:s14], $0x8000  }
0x18: {  	s17 =	sadd.s32 $0xEAC00, s22;
	s24 =	sshll.u32 s15, $0x4;
	[sflag:s14] =	ssyncset.done $0x0  }
0x19: {  	s15 =	sadd.s32 s17, s24;
	[sflag:s14] =	ssyncadd.s32 $0xFFFF8000  }
0x1a: {  	[hbm4b:s15+s3] =	stream.linear.scatter [tilespmem:s12], [sflag:$0x2], $0x8000, $0x38;
	[tilespmem:$0x10600] =	vst v63  }
0x1b: {  	_ =	swait.ge [sflag:s4], $0x8000  }
0x1c: {  	[sflag:s4] =	ssyncset.done $0x0  }
0x1d: {  	s16 =	sadd.s32 $0x66C00, s22;
	[sflag:s4] =	ssyncadd.s32 $0xFFFF8000  }
0x1e: {  	[tilespmem:s12], [sflag:$0x1] =	stream.indirect.gather [hbm4b:s16+s11], $0x80, s7, s11, $0xb8;
	[tilespmem:$0x10600] =	vst v63  }
0x1f: {  	_ =	swait.ge [sflag:s14], $0x8000  }
0x20: {  	s25 =	sor.u32 $0x1000, s24;
	[sflag:s14] =	ssyncset.done $0x0  }
0x21: {  	s17 =	sadd.s32 s17, s25;
	[sflag:s14] =	ssyncadd.s32 $0xFFFF8000  }
0x22: {  	[hbm4b:s17+s3] =	stream.linear.scatter [tilespmem:s13], [sflag:$0x2], $0x8000, $0x38;
	[tilespmem:$0x10600] =	vst v63  }
0x23: {  	_ =	swait.ge [sflag:s4], $0x8000  }
0x24: {  	[sflag:s4] =	ssyncset.done $0x0  }
0x25: {  	s18 =	simm.s32 $0x300;
	[sflag:s4] =	ssyncadd.s32 $0xFFFF8000  }
0x26: {  	[tilespmem:s13], [sflag:$0x1] =	stream.indirect.gather [hbm4b:s16+s11], $0x80, s18, s11, $0xb8;
	[tilespmem:$0x10600] =	vst v63  }
0x27: {  	_ =	swait.ge [sflag:s14], $0x8000  }
0x28: {  	s20 =	sadd.s32 $0x6AC00, s22;
	[sflag:s14] =	ssyncset.done $0x0  }
0x29: {  	s19 =	sadd.s32 s20, s24;
	[sflag:s14] =	ssyncadd.s32 $0xFFFF8000  }
0x2a: {  	[hbm4b:s19+s3] =	stream.linear.scatter [tilespmem:s12], [sflag:$0x2], $0x8000, $0x38;
	[tilespmem:$0x10600] =	vst v63  }
0x2b: {  	_ =	swait.ge [sflag:s4], $0x8000  }
0x2c: {  	[sflag:s4] =	ssyncset.done $0x0  }
0x2d: {  	[sflag:s4] =	ssyncadd.s32 $0xFFFF8000  }
0x2e: {  	[tilespmem:s12], [sflag:$0x1] =	stream.indirect.gather [hbm4b:s2+s11], $0x80, s9, s11, $0xb8;
	[tilespmem:$0x10600] =	vst v63  }
0x2f: {  	_ =	swait.ge [sflag:s14], $0x8000  }
0x30: {  	[sflag:s14] =	ssyncset.done $0x0  }
0x31: {  	s20 =	sadd.s32 s20, s25;
	[sflag:s14] =	ssyncadd.s32 $0xFFFF8000  }
0x32: {  	[hbm4b:s20+s3] =	stream.linear.scatter [tilespmem:s13], [sflag:$0x2], $0x8000, $0x38;
	[tilespmem:$0x10600] =	vst v63  }
0x33: {  	_ =	swait.ge [sflag:s4], $0x8000  }
0x34: {  	[sflag:s4] =	ssyncset.done $0x0  }
0x35: {  	s21 =	simm.s32 $0x500;
	[sflag:s4] =	ssyncadd.s32 $0xFFFF8000  }
0x36: {  	[tilespmem:s13], [sflag:$0x1] =	stream.indirect.gather [hbm4b:s2+s11], $0x80, s21, s11, $0xb8;
	[tilespmem:$0x10600] =	vst v63  }
0x37: {  	_ =	swait.ge [sflag:s14], $0x8000  }
0x38: {  	s26 =	sadd.s32 $0xAAC00, s22;
	[sflag:s14] =	ssyncset.done $0x0  }
0x39: {  	s23 =	ssub.s32 $0x2, s23;
	s22 =	sadd.s32 s26, s24;
	[sflag:s14] =	ssyncadd.s32 $0xFFFF8000  }
0x3a: {  	[hbm4b:s22+s3] =	stream.linear.scatter [tilespmem:s12], [sflag:$0x2], $0x8000, $0x38;
	[tilespmem:$0x10600] =	vst v63  }
0x3b: {  	s31 =	sshrl.u32 s23, $0x1;
	_ =	swait.ge [sflag:s4], $0x8000  }
0x3c: {  	s24 =	ssub.s32 s23, s31;
	[sflag:s4] =	ssyncset.done $0x0  }
0x3d: {  	s24 =	smax.u32 s24, $0x1;
	[sflag:s4] =	ssyncadd.s32 $0xFFFF8000  }
0x3e: {  	p0 =	sne.s32 s24, $0x1;
	_ =	swait.ge [sflag:s14], $0x8000  }
.Ltmp0:
0x3f: {  	[sflag:s14] =	ssyncset.done $0x0;
	(pc) =	sbr.rel @!p0 .LBB2_2-.Ltmp0, $4  }
0x40: {  	s23 =	sadd.s32 s26, s25;
	[sflag:s14] =	ssyncadd.s32 $0xFFFF8000  }
0x41: {  	[hbm4b:s23+s3] =	stream.linear.scatter [tilespmem:s13], [sflag:$0x2], $0x8000, $0x38;
	[tilespmem:$0x10600] =	vst v63  }
0x42: {  	_ =	swait.ge [sflag:s4], $0x8000  }
0x43: {  	s24 =	sadd.s32 $0xFFFFFFFF, s24;
	[sflag:s4] =	ssyncset.done $0x0  }
.LBB2_1:
0x44: {  	p0 =	sne.s32 s24, $0x1;
	s24 =	sadd.s32 $0xFFFFFFFF, s24;
	[sflag:s4] =	ssyncadd.s32 $0xFFFF8000  }
0x45: {  	[tilespmem:s3], [sflag:$0x2] =	stream.linear.gather [hbm4b:s5+s3], $0x200, $0x38;
	[tilespmem:$0x10600] =	vst v63  }
0x46: {  	_ =	swait.ge [sflag:s4], $0x200  }
0x47: {  	[sflag:s4] =	ssyncset.done $0x0  }
0x48: {  	[sflag:s4] =	ssyncadd.s32 $0xFFFFFE00  }
0x49: {  	[tilespmem:s7], [sflag:$0x2] =	stream.linear.gather [hbm4b:s6+s3], $0x200, $0x38;
	[tilespmem:$0x10600] =	vst v63  }
0x4a: {  	_ =	swait.ge [sflag:s4], $0x200  }
0x4b: {  	[sflag:s4] =	ssyncset.done $0x0  }
0x4c: {  	[sflag:s4] =	ssyncadd.s32 $0xFFFFFE00  }
0x4d: {  	[tilespmem:s9], [sflag:$0x2] =	stream.linear.gather [hbm4b:s8+s3], $0x200, $0x38;
	[tilespmem:$0x10600] =	vst v63  }
0x4e: {  	_ =	swait.ge [sflag:s4], $0x200  }
0x4f: {  	[sflag:s4] =	ssyncset.done $0x0  }
0x50: {  	[sflag:s4] =	ssyncadd.s32 $0xFFFFFE00  }
0x51: {  	[tilespmem:s12], [sflag:$0x1] =	stream.indirect.gather [hbm4b:s10+s11], $0x80, s3, s11, $0xb8;
	[tilespmem:$0x10600] =	vst v63  }
0x52: {  	_ = 	snop  }
0x53: {  	[tilespmem:s13], [sflag:$0x1] =	stream.indirect.gather [hbm4b:s10+s11], $0x80, s11, s11, $0xb8;
	[tilespmem:$0x10600] =	vst v63  }
0x54: {  	_ =	swait.ge [sflag:s14], $0x8000  }
0x55: {  	[sflag:s14] =	ssyncset.done $0x0  }
0x56: {  	[sflag:s14] =	ssyncadd.s32 $0xFFFF8000  }
0x57: {  	[hbm4b:s15+s3] =	stream.linear.scatter [tilespmem:s12], [sflag:$0x2], $0x8000, $0x38;
	[tilespmem:$0x10600] =	vst v63  }
0x58: {  	_ =	swait.ge [sflag:s4], $0x8000  }
0x59: {  	[sflag:s4] =	ssyncset.done $0x0  }
0x5a: {  	[sflag:s4] =	ssyncadd.s32 $0xFFFF8000  }
0x5b: {  	[tilespmem:s12], [sflag:$0x1] =	stream.indirect.gather [hbm4b:s16+s11], $0x80, s7, s11, $0xb8;
	[tilespmem:$0x10600] =	vst v63  }
0x5c: {  	_ =	swait.ge [sflag:s14], $0x8000  }
0x5d: {  	[sflag:s14] =	ssyncset.done $0x0  }
0x5e: {  	[sflag:s14] =	ssyncadd.s32 $0xFFFF8000  }
0x5f: {  	[hbm4b:s17+s3] =	stream.linear.scatter [tilespmem:s13], [sflag:$0x2], $0x8000, $0x38;
	[tilespmem:$0x10600] =	vst v63  }
0x60: {  	_ =	swait.ge [sflag:s4], $0x8000  }
0x61: {  	[sflag:s4] =	ssyncset.done $0x0  }
0x62: {  	[sflag:s4] =	ssyncadd.s32 $0xFFFF8000  }
0x63: {  	[tilespmem:s13], [sflag:$0x1] =	stream.indirect.gather [hbm4b:s16+s11], $0x80, s18, s11, $0xb8;
	[tilespmem:$0x10600] =	vst v63  }
0x64: {  	_ =	swait.ge [sflag:s14], $0x8000  }
0x65: {  	[sflag:s14] =	ssyncset.done $0x0  }
0x66: {  	[sflag:s14] =	ssyncadd.s32 $0xFFFF8000  }
0x67: {  	[hbm4b:s19+s3] =	stream.linear.scatter [tilespmem:s12], [sflag:$0x2], $0x8000, $0x38;
	[tilespmem:$0x10600] =	vst v63  }
0x68: {  	_ =	swait.ge [sflag:s4], $0x8000  }
0x69: {  	[sflag:s4] =	ssyncset.done $0x0  }
0x6a: {  	[sflag:s4] =	ssyncadd.s32 $0xFFFF8000  }
0x6b: {  	[tilespmem:s12], [sflag:$0x1] =	stream.indirect.gather [hbm4b:s2+s11], $0x80, s9, s11, $0xb8;
	[tilespmem:$0x10600] =	vst v63  }
0x6c: {  	_ =	swait.ge [sflag:s14], $0x8000  }
0x6d: {  	[sflag:s14] =	ssyncset.done $0x0  }
0x6e: {  	[sflag:s14] =	ssyncadd.s32 $0xFFFF8000  }
0x6f: {  	[hbm4b:s20+s3] =	stream.linear.scatter [tilespmem:s13], [sflag:$0x2], $0x8000, $0x38;
	[tilespmem:$0x10600] =	vst v63  }
0x70: {  	_ =	swait.ge [sflag:s4], $0x8000  }
0x71: {  	[sflag:s4] =	ssyncset.done $0x0  }
0x72: {  	[sflag:s4] =	ssyncadd.s32 $0xFFFF8000  }
0x73: {  	[tilespmem:s13], [sflag:$0x1] =	stream.indirect.gather [hbm4b:s2+s11], $0x80, s21, s11, $0xb8;
	[tilespmem:$0x10600] =	vst v63  }
0x74: {  	_ =	swait.ge [sflag:s14], $0x8000  }
0x75: {  	[sflag:s14] =	ssyncset.done $0x0  }
0x76: {  	[sflag:s14] =	ssyncadd.s32 $0xFFFF8000  }
0x77: {  	[hbm4b:s22+s3] =	stream.linear.scatter [tilespmem:s12], [sflag:$0x2], $0x8000, $0x38;
	[tilespmem:$0x10600] =	vst v63  }
0x78: {  	_ =	swait.ge [sflag:s4], $0x8000  }
0x79: {  	[sflag:s4] =	ssyncset.done $0x0  }
0x7a: {  	[sflag:s4] =	ssyncadd.s32 $0xFFFF8000  }
0x7b: {  	_ =	swait.ge [sflag:s14], $0x8000  }
.Ltmp1:
0x7c: {  	[sflag:s14] =	ssyncset.done $0x0;
	(pc) =	sbr.rel @p0 .LBB2_1-.Ltmp1, $4  }
0x7d: {  	[sflag:s14] =	ssyncadd.s32 $0xFFFF8000  }
0x7e: {  	[hbm4b:s23+s3] =	stream.linear.scatter [tilespmem:s13], [sflag:$0x2], $0x8000, $0x38;
	[tilespmem:$0x10600] =	vst v63  }
0x7f: {  	_ =	swait.ge [sflag:s4], $0x8000  }
0x80: {  	[sflag:s4] =	ssyncset.done $0x0  }
.LBB2_2:
0x81: {  	[sflag:s4] =	ssyncadd.s32 $0xFFFF8000  }
0x82: {  	_ =	sfence.sel $0x180000  }
0x83: {  	[bflag:$0x0] =	sbarrier.arrive $0xFFFF  }
0x84: {  	p0 =	sne.s32 s0, $0x0;
	_ =	strace $0x90000047  }
0x85: {  	s0 =	sadd.s32 @!p0 $0x100000, s1;
	[bflag:$0x2] =	sbarrier.arrive $0xFFFF  }
0x86: {  	[sflag:s0] =	ssyncadd.tile.s32 @!p0 $0x1;
	_ =	shalt  }
.Lfunc_end2:
_tile_overlayer_lowered:
.L_overlay_start_2:
0x87: {  	(tag) =	ssettag $0x2  }
0x88: {  	s0 =	rddreg [dreg:$0x0];
	s2 =	stileid.u32  }
0x89: {  	s1 =	rddreg [dreg:$0x1];
	p0 =	sne.s32 s2, $0x0  }
0x8a: {  	s3 =	rddreg [dreg:$0x2];
	[bflag:$0x3] =	sbarrier.arrive $0xFFFF;
	s2 =	simm.s32 @!p0 $0x1C02  }
0x8b: {  	[timem:s3], [sflag:s2] =	dma.local @!p0 [hbm:s0], s1  }
0x8c: {  	s0 =	simm.s32 @!p0 $0x2  }
0x8d: {  	_ =	swait.ge @!p0 [sflag:s0], s1  }
0x8e: {  	s1 =	ssub.s32 @!p0 $0x0, s1;
	[sflag:s0] =	ssyncset.done @!p0 $0x0  }
0x8f: {  	[sflag:s0] =	ssyncadd.s32 @!p0 s1  }
0x90: {  	[bflag:$0x3] =	sbarrier.arrive $0xFFFF  }
0x91: {  	_ =	shalt  }

// kernel: sc_gather_song.3.cloned.1.call-start
scs
__scs_entry_jumppad:
0x0: {  	(pc) =	sbr.rel $0x88, $3  }
0x1: {  	(tag) =	ssettag $0x0;
	lr =	simm.s32 $0x1  }
0x2: {  	[smem:$0x3F90] =	sst lr;
	_ =	strace $0xD0000000  }
0x3: {  	_ = 	snop  }
0x4: {  	_ = 	snop  }
0x5: {  	_ = 	snop  }
0x6: {  	_ = 	snop  }
0x7: {  	_ = 	snop  }
__scs_overlays_trampoline_lowered:
0x8: {  	[smem:$0x3F9F] =	sst s0  }
0x9: {  	[smem:$0x3FA0] =	sst s1  }
0xa: {  	[smem:$0x3FA1] =	sst s2  }
0xb: {  	[smem:$0x3FA2] =	sst s3  }
0xc: {  	[smem:$0x3FA3] =	sst s4  }
0xd: {  	[smem:$0x3FA4] =	sst s5  }
0xe: {  	[smem:$0x3FA5] =	sst s6  }
0xf: {  	[smem:$0x3FA6] =	sst s7  }
0x10: {  	[smem:$0x3FA7] =	sst s8  }
0x11: {  	[smem:$0x3FA8] =	sst s9;
	s0 =	simm.s32 @!p0 $0x0  }
0x12: {  	s1 =	sld [smem:$0x3F8E];
	s0 =	simm.s32 @p0 $0x1  }
0x13: {  	[smem:$0x3FA9] =	sst s0;
	s0 =	simm.s32 @!p1 $0x0  }
0x14: {  	s2 =	sld [smem:$0x3F8D];
	s0 =	simm.s32 @p1 $0x1  }
0x15: {  	[smem:$0x3FAA] =	sst s0;
	s0 =	simm.s32 @!p2 $0x0  }
0x16: {  	s3 =	sld [smem:$0x3FDB];
	s0 =	simm.s32 @p2 $0x1  }
0x17: {  	s4 =	simm.s32 $0x1BF5;
	[smem:$0x3FAC] =	sst s0  }
0x18: {  	s0 =	sld [smem:$0x3F8F];
	_ =	swait.ge [sflag:s4], $0x0  }
0x19: {  	s7 =	sld [smem:$0x3F90]  }
0x1a: {  	s8 =	sadd.s32 $0xFFFFE003, lr  }
0x1b: {  	s9 =	sadd.s32 $0xFFFFFEF7, lr;
	s5 =	simm.s32 $0xFFFFFFFF;
	p2 =	slt.u32 s8, $0xFFFFF086  }
0x1c: {  	p1 =	slt.u32 s9, $0xF7A;
	s5 =	simm.s32 @!p2 $0x0  }
0x1d: {  	s5 =	simm.s32 @p1 $0x1;
	p0 =	seq.s32 s7, s2  }
0x1e: {  	s7 =	smul.u32 @!p0 $0xF7A, s2;
	p2 =	seq.s32 @!p0 s5, $0x0  }
0x1f: {  	s9 =	smul.u32 $0xF7A, s1;
	s8 =	simm.s32 @!p0 $0x1BF5;
	p2 =	por !p2, p0  }
0x20: {  	[sflag:s8] =	ssyncset.s32 @!p0 $0xFFFFF086;
	s6 =	sadd.s32 @!p0 s3, s7;
	s7 =	simm.s32 @!p0 $0x108  }
0x21: {  	s3 =	sadd.s32 s3, s9;
	s6 =	sadd.s32 @!p0 $0x88, s6;
	s7 =	simm.s32 @p2 $0x1082  }
0x22: {  	[simem:s7], [sflag:s8] =	dma.local @!p0 [hbm:s6], $0xF7A  }
0x23: {  	s9 =	sor.u32 $0xD0000000, s2;
	s6 =	simm.s32 $0x108;
	_ =	swait.ge @!p0 [sflag:s8], $0x0  }
0x24: {  	s3 =	sadd.s32 $0x88, s3;
	s6 =	simm.s32 @!p1 $0x1082;
	[sflag:s4] =	ssyncset.s32 $0xFFFFF086  }
0x25: {  	[simem:s6], [sflag:s4] =	dma.local [hbm:s3], $0xF7A  }
0x26: {  	[smem:$0x3F90] =	sst s1;
	(tag) =	ssettag s2;
	_ =	strace s9  }
0x27: {  	s1 =	sld [smem:$0x3FA0]  }
0x28: {  	s2 =	sld [smem:$0x3FA1]  }
0x29: {  	s4 =	sld [smem:$0x3FA3]  }
0x2a: {  	p0 =	seq.s32 s5, $0x0;
	s5 =	sld [smem:$0x3FA4]  }
0x2b: {  	s6 =	sld [smem:$0x3FA5]  }
0x2c: {  	s7 =	sld [smem:$0x3FA6]  }
0x2d: {  	s3 =	simm.s32 $0x108;
	s8 =	sld [smem:$0x3FA7]  }
0x2e: {  	s3 =	simm.s32 @!p0 $0x1082;
	s9 =	sld [smem:$0x3FA8]  }
0x2f: {  	lr =	sadd.s32 s0, s3;
	s0 =	sld [smem:$0x3F9F]  }
0x30: {  	s3 =	sld [smem:$0x3FA2]  }
0x31: {  	[smem:$0x3FAB] =	sst s10  }
0x32: {  	s10 =	sld [smem:$0x3FA9];
	_ =	sdelay $0x3  }
0x33: {  	p0 =	seq.s32 s10, $0x1;
	s10 =	sld [smem:$0x3FAB];
	_ =	sdelay $0x3  }
0x34: {  	[smem:$0x3FAB] =	sst s10  }
0x35: {  	s10 =	sld [smem:$0x3FAA];
	_ =	sdelay $0x3  }
0x36: {  	p1 =	seq.s32 s10, $0x1;
	s10 =	sld [smem:$0x3FAB];
	_ =	sdelay $0x3  }
0x37: {  	[smem:$0x3FAB] =	sst s10  }
0x38: {  	s10 =	sld [smem:$0x3FAC]  }
0x39: {  	_ = 	snop;
	(pc) =	sbr.ind lr, $3  }
0x3a: {  	_ = 	snop  }
0x3b: {  	_ = 	snop  }
0x3c: {  	p2 =	seq.s32 s10, $0x1;
	s10 =	sld [smem:$0x3FAB]  }
0x3d: {  	_ =	shalt  }
0x3e: {  	_ =	shalt  }
0x3f: {  	_ =	shalt  }
0x40: {  	_ =	shalt  }
0x41: {  	_ =	shalt  }
0x42: {  	_ =	shalt  }
0x43: {  	_ =	shalt  }
0x44: {  	_ =	shalt  }
0x45: {  	_ =	shalt  }
0x46: {  	_ =	shalt  }
0x47: {  	_ =	shalt  }
0x48: {  	_ =	shalt  }
0x49: {  	_ =	shalt  }
0x4a: {  	_ =	shalt  }
0x4b: {  	_ =	shalt  }
0x4c: {  	_ =	shalt  }
0x4d: {  	_ =	shalt  }
0x4e: {  	_ =	shalt  }
0x4f: {  	_ =	shalt  }
0x50: {  	_ =	shalt  }
0x51: {  	_ =	shalt  }
0x52: {  	_ =	shalt  }
0x53: {  	_ =	shalt  }
0x54: {  	_ =	shalt  }
0x55: {  	_ =	shalt  }
0x56: {  	_ =	shalt  }
0x57: {  	_ =	shalt  }
0x58: {  	_ =	shalt  }
0x59: {  	_ =	shalt  }
0x5a: {  	_ =	shalt  }
0x5b: {  	_ =	shalt  }
0x5c: {  	_ =	shalt  }
0x5d: {  	_ =	shalt  }
0x5e: {  	_ =	shalt  }
0x5f: {  	_ =	shalt  }
0x60: {  	_ =	shalt  }
0x61: {  	_ =	shalt  }
0x62: {  	_ =	shalt  }
0x63: {  	_ =	shalt  }
0x64: {  	_ =	shalt  }
0x65: {  	_ =	shalt  }
0x66: {  	_ =	shalt  }
0x67: {  	_ =	shalt  }
0x68: {  	_ =	shalt  }
0x69: {  	_ =	shalt  }
0x6a: {  	_ =	shalt  }
0x6b: {  	_ =	shalt  }
0x6c: {  	_ =	shalt  }
0x6d: {  	_ =	shalt  }
0x6e: {  	_ =	shalt  }
0x6f: {  	_ =	shalt  }
0x70: {  	_ =	shalt  }
0x71: {  	_ =	shalt  }
0x72: {  	_ =	shalt  }
0x73: {  	_ =	shalt  }
0x74: {  	_ =	shalt  }
0x75: {  	_ =	shalt  }
0x76: {  	_ =	shalt  }
0x77: {  	_ =	shalt  }
0x78: {  	_ =	shalt  }
0x79: {  	_ =	shalt  }
0x7a: {  	_ =	shalt  }
0x7b: {  	_ =	shalt  }
0x7c: {  	_ =	shalt  }
0x7d: {  	_ =	shalt  }
0x7e: {  	_ =	shalt  }
0x7f: {  	_ =	shalt  }
0x80: {  	_ =	shalt  }
0x81: {  	_ =	shalt  }
0x82: {  	_ =	shalt  }
0x83: {  	_ =	shalt  }
0x84: {  	_ =	shalt  }
0x85: {  	_ =	shalt  }
0x86: {  	_ =	shalt  }
0x87: {  	_ =	shalt  }
.Lfunc_end0:
.L_simem_size_0:
called_computation.1_lowered:
.L_overlay_start_0:
0x88: {  	s2 =	sld [smem:$0x3FD9]  }
0x89: {  	s3 =	sld [smem:$0x3FFE];
	_ =	sdelay $0x1  }
0x8a: {  	s1 =	srdreg.scid  }
0x8b: {  	s0 =	sand.u32 $0x1, s1  }
0x8c: {  	s17 =	sshll.u32 s0, $0xA;
	s2 =	sadd.s32 s3, s2  }
0x8d: {  	s2 =	sadd.s32 s2, s17  }
0x8e: {  	[smem:$0x3FB7] =	sst s2  }
0x8f: {  	_ = 	snop  }
0x90: {  	(tm) =	ssettm $0x1  }
0x91: {  	s18 =	sld [smem:$0x3FFB];
	_ =	sdelay $0x3  }
0x92: {  	_ =	strace s18  }
0x93: {  	s2 =	sld [smem:$0x3FFC];
	_ =	sdelay $0x3  }
0x94: {  	_ =	strace s2  }
0x95: {  	s2 =	sld [smem:$0x3FFD];
	_ =	sdelay $0x3  }
0x96: {  	_ =	strace s2  }
0x97: {  	_ =	strace $0x8FFFFFFF  }
0x98: {  	s19 =	sld [smem:$0x3FDB];
	_ =	sdelay $0x1  }
0x99: {  	s20 =	simm.s32 $_scs_section_size  }
0x9a: {  	s4 =	simm.s32 $_size__tile_overlayer_lowered;
	s5 =	simm.s32 $_tile_overlayer_lowered  }
0x9b: {  	s6 =	simm.s32 $0x1BFF;
	s21 =	sshll.u32 s5, $0x1;
	s3 =	sadd.s32 s20, s19  }
0x9c: {  	s22 =	simm.s32 $0x0;
	s4 =	sshll.u32 s4, $0x1;
	s5 =	sadd.s32 s21, s3  }
0x9d: {  	[timem:s22], [sflag:s6] =	dma.local [hbm:s5], s4  }
0x9e: {  	_ =	swait.ge [sflag:s6], s4  }
0x9f: {  	s4 =	ssub.s32 $0x0, s4;
	[sflag:s6] =	ssyncset.done $0x0  }
0xa0: {  	[sflag:s6] =	ssyncadd.s32 s4;
	_ =	sdelay $0x1  }
0xa1: {  	s23 =	simm.s32 $0x1B8B  }
0xa2: {  	_ =	swait.ge [sflag:s23], $0x1  }
0xa3: {  	[sflag:s23] =	ssyncset.done $0x0  }
0xa4: {  	[sflag:s23] =	ssyncadd.s32 $0xFFFFFFFF  }
0xa5: {  	s4 =	sld [smem:$0x0]  }
0xa6: {  	s5 =	sand.u32 $0xFFFFFFFE, s1  }
0xa7: {  	p0 =	sne.s32 s1, s5  }
0xa8: {  	s5 =	sshll.u32 @p0 s5, $0xE  }
0xa9: {  	s5 =	sadd.s32 @p0 $0x11B8D, s5;
	s6 =	sshll.u32 @p0 s4, $0x11  }
0xaa: {  	s5 =	sor.u32 @p0 s6, s5  }
0xab: {  	[sflag:s5] =	ssyncadd.remote.s32 @p0 $0x1;
	_ =	sdelay $0x1  }
0xac: {  	s5 =	simm.s32 @p0 $0x1B8D  }
0xad: {  	_ =	swait.eq @p0 [sflag:s5], $0x1  }
0xae: {  	[sflag:s5] =	ssyncadd.s32 @p0 $0xFFFFFFFF  }
0xaf: {  	s6 =	sshll.u32 @!p0 s1, $0xE  }
0xb0: {  	s6 =	sor.u32 @!p0 $0x4000, s6;
	s5 =	simm.s32 @!p0 $0x1B8D  }
0xb1: {  	s4 =	sshll.u32 @!p0 s4, $0x11;
	s6 =	sadd.s32 @!p0 $0x11B8D, s6;
	_ =	swait.eq @!p0 [sflag:s5], $0x1  }
0xb2: {  	s4 =	sor.u32 @!p0 s4, s6;
	[sflag:s5] =	ssyncadd.s32 @!p0 $0xFFFFFFFF  }
0xb3: {  	s25 =	simm.s32 $0x1B8E;
	s24 =	sld [smem:$0x3FFE];
	[sflag:s4] =	ssyncadd.remote.s32 @!p0 $0x1  }
0xb4: {  	s26 =	simm.s32 $execute0_lowered;
	[smem:$0x3FD2] =	sst s25  }
0xb5: {  	s5 =	sshll.u32 s26, $0x1;
	_ =	strace $0x80000049;
	[dreg:$0x1] =	wrdreg $0xFFFFFFFF  }
0xb6: {  	s28 =	simm.s32 $_size_execute0_lowered;
	s3 =	sadd.s32 s3, s5;
	[dreg:$0x0] =	wrdreg $0x0  }
0xb7: {  	s5 =	sshll.u32 s28, $0x1;
	[dreg:$0x2] =	wrdreg s3  }
0xb8: {  	[dreg:$0x3] =	wrdreg s5  }
0xb9: {  	[dreg:$0x4] =	wrdreg $0xC0  }
0xba: {  	_ =	task [dreg:s22], $0x5FFFF  }
0xbb: {  	[dreg:$0x1] =	wrdreg $0xFFFFFFFF  }
0xbc: {  	[dreg:$0x0] =	wrdreg $0x60  }
0xbd: {  	[dreg:$0x2] =	wrdreg s24  }
0xbe: {  	[dreg:$0x3] =	wrdreg $0xA  }
0xbf: {  	_ =	task.clear_ibuf [dreg:s22], $0x4FFFF;
	_ =	strace $0x90000049  }
0xc0: {  	s29 =	simm.s32 $0xA;
	_ =	strace $0x8000004B  }
0xc1: {  	_ =	swait.ge [sflag:s29], $0x1  }
0xc2: {  	[sflag:s29] =	ssyncadd.s32 $0xFFFFFFFF  }
0xc3: {  	_ =	strace $0x9000004B  }
0xc4: {  	_ =	sfence  }
0xc5: {  	s30 =	sld [smem:$0x0];
	_ =	sdelay $0x2  }
0xc6: {  	s31 =	sshll.u32 s1, $0xD;
	s1 =	sshrl.u32 s1, $0x2  }
0xc7: {  	s4 =	sand.u32 $0x4000, s31;
	s1 =	sadd.s32 s1, s30  }
0xc8: {  	s0 =	sor.u32 s4, s0;
	s1 =	sshll.u32 s1, $0x11  }
0xc9: {  	s0 =	sor.u32 s1, s0  }
0xca: {  	s0 =	sadd.s32 $0x8F2B, s0  }
0xcb: {  	[sflag:s0] =	ssyncadd.remote.s32 $0x1  }
0xcc: {  	_ =	sfence.sel $0xFFFF  }
0xcd: {  	[dreg:$0x0] =	wrdreg $0xFFFFFFFF;
	(pc) =	sbr.abs _section_cstart, $3  }
0xce: {  	[dreg:$0x1] =	wrdreg $0xFFFFFFFF  }
0xcf: {  	_ =	task.clear_ibuf [dreg:s22], $0x2FFFF;
	_ =	strace $0x9FFFFFFF  }
0xd0: {  	(tm) =	ssettm $0x7FFFFFFF  }
0xd1: {  	_ =	shalt  }
tec
execute0_lowered:
.L_overlay_start_1:
0x0: {  	(tag) =	ssettag $0x1  }
0x1: {  	s1 =	srdreg.scid  }
0x2: {  	s0 =	stileid.u32;
	s11 =	sand.u32 $0x1, s1  }
0x3: {  	s30 =	sshll.u32 s0, $0xA;
	s2 =	sshll.u32 s11, $0x9  }
0x4: {  	s10 =	rddreg [dreg:$0x0];
	s12 =	sor.u32 s2, s30  }
0x5: {  	s1 =	rddreg [dreg:$0x1];
	s2 =	simm.s32 $0x0;
	s3 =	sshrl.u32 s12, $0x3  }
0x6: {  	[smem:$0x7FF] =	sst s2;
	s3 =	sadd.s32 s3, s10  }
0x7: {  	_ =	strace $0x8000004A;
	s4 =	sadd.s32 $0x4FB600, s3;
	s3 =	simm.s32 $0x2  }
0x8: {  	[tilespmem:s2], [sflag:$0x2] =	stream.linear.gather [hbm4b:s4+s2], $0x200, $0x38;
	[tilespmem:$0x10200] =	vst v63  }
0x9: {  	_ =	swait.ge [sflag:s3], $0x200  }
0xa: {  	s6 =	simm.s32 $0x100;
	[sflag:s3] =	ssyncset.done $0x0  }
0xb: {  	s7 =	simm.s32 $0x200;
	s5 =	sadd.s32 $0x12AC00, s10;
	[sflag:s3] =	ssyncadd.s32 $0xFFFFFE00  }
0xc: {  	[tilespmem:s7], [sflag:$0x1] =	stream.indirect.gather [hbm4b:s5+s6], $0x80, s2, s6, $0xb8;
	[tilespmem:$0x10200] =	vst v63  }
0xd: {  	s8 =	simm.s32 $0x8200;
	s9 =	simm.s32 $0x1  }
0xe: {  	[tilespmem:s8], [sflag:$0x1] =	stream.indirect.gather [hbm4b:s5+s6], $0x80, s6, s6, $0xb8;
	[tilespmem:$0x10200] =	vst v63  }
0xf: {  	s12 =	sshll.u32 s12, $0x4;
	_ =	swait.ge [sflag:s9], $0x8000  }
0x10: {  	s12 =	sadd.s32 s12, s10;
	[sflag:s9] =	ssyncset.done $0x0  }
0x11: {  	s11 =	ssub.s32 $0x2, s11;
	s10 =	sadd.s32 $0x4FBE00, s12;
	[sflag:s9] =	ssyncadd.s32 $0xFFFF8000  }
0x12: {  	[hbm4b:s10+s2] =	stream.linear.scatter [tilespmem:s7], [sflag:$0x2], $0x8000, $0x38;
	[tilespmem:$0x10200] =	vst v63  }
0x13: {  	s13 =	sshrl.u32 s11, $0x1;
	_ =	swait.ge [sflag:s3], $0x8000  }
0x14: {  	s13 =	ssub.s32 s11, s13;
	[sflag:s3] =	ssyncset.done $0x0  }
0x15: {  	s31 =	smax.u32 s13, $0x1;
	[sflag:s3] =	ssyncadd.s32 $0xFFFF8000  }
0x16: {  	p0 =	sne.s32 s31, $0x1;
	_ =	swait.ge [sflag:s9], $0x8000  }
.Ltmp0:
0x17: {  	[sflag:s9] =	ssyncset.done $0x0;
	(pc) =	sbr.rel @!p0 .LBB2_2-.Ltmp0, $4  }
0x18: {  	s11 =	sadd.s32 $0x4FCE00, s12;
	[sflag:s9] =	ssyncadd.s32 $0xFFFF8000  }
0x19: {  	[hbm4b:s11+s2] =	stream.linear.scatter [tilespmem:s8], [sflag:$0x2], $0x8000, $0x38;
	[tilespmem:$0x10200] =	vst v63  }
0x1a: {  	_ =	swait.ge [sflag:s3], $0x8000  }
0x1b: {  	s12 =	sadd.s32 $0xFFFFFFFF, s31;
	[sflag:s3] =	ssyncset.done $0x0  }
.LBB2_1:
0x1c: {  	p0 =	sne.s32 s12, $0x1;
	s12 =	sadd.s32 $0xFFFFFFFF, s12;
	[sflag:s3] =	ssyncadd.s32 $0xFFFF8000  }
0x1d: {  	[tilespmem:s2], [sflag:$0x2] =	stream.linear.gather [hbm4b:s4+s2], $0x200, $0x38;
	[tilespmem:$0x10200] =	vst v63  }
0x1e: {  	_ =	swait.ge [sflag:s3], $0x200  }
0x1f: {  	[sflag:s3] =	ssyncset.done $0x0  }
0x20: {  	[sflag:s3] =	ssyncadd.s32 $0xFFFFFE00  }
0x21: {  	[tilespmem:s7], [sflag:$0x1] =	stream.indirect.gather [hbm4b:s5+s6], $0x80, s2, s6, $0xb8;
	[tilespmem:$0x10200] =	vst v63  }
0x22: {  	_ = 	snop  }
0x23: {  	[tilespmem:s8], [sflag:$0x1] =	stream.indirect.gather [hbm4b:s5+s6], $0x80, s6, s6, $0xb8;
	[tilespmem:$0x10200] =	vst v63  }
0x24: {  	_ =	swait.ge [sflag:s9], $0x8000  }
0x25: {  	[sflag:s9] =	ssyncset.done $0x0  }
0x26: {  	[sflag:s9] =	ssyncadd.s32 $0xFFFF8000  }
0x27: {  	[hbm4b:s10+s2] =	stream.linear.scatter [tilespmem:s7], [sflag:$0x2], $0x8000, $0x38;
	[tilespmem:$0x10200] =	vst v63  }
0x28: {  	_ =	swait.ge [sflag:s3], $0x8000  }
0x29: {  	[sflag:s3] =	ssyncset.done $0x0  }
0x2a: {  	[sflag:s3] =	ssyncadd.s32 $0xFFFF8000  }
0x2b: {  	_ =	swait.ge [sflag:s9], $0x8000  }
.Ltmp1:
0x2c: {  	[sflag:s9] =	ssyncset.done $0x0;
	(pc) =	sbr.rel @p0 .LBB2_1-.Ltmp1, $4  }
0x2d: {  	[sflag:s9] =	ssyncadd.s32 $0xFFFF8000  }
0x2e: {  	[hbm4b:s11+s2] =	stream.linear.scatter [tilespmem:s8], [sflag:$0x2], $0x8000, $0x38;
	[tilespmem:$0x10200] =	vst v63  }
0x2f: {  	_ =	swait.ge [sflag:s3], $0x8000  }
0x30: {  	[sflag:s3] =	ssyncset.done $0x0  }
.LBB2_2:
0x31: {  	[sflag:s3] =	ssyncadd.s32 $0xFFFF8000  }
0x32: {  	_ =	sfence.sel $0x180000  }
0x33: {  	[bflag:$0x0] =	sbarrier.arrive $0xFFFF  }
0x34: {  	p0 =	sne.s32 s0, $0x0;
	_ =	strace $0x9000004A  }
0x35: {  	s0 =	sadd.s32 @!p0 $0x100000, s1;
	[bflag:$0x2] =	sbarrier.arrive $0xFFFF  }
0x36: {  	[sflag:s0] =	ssyncadd.tile.s32 @!p0 $0x1;
	_ =	shalt  }
.Lfunc_end2:
_tile_overlayer_lowered:
.L_overlay_start_2:
0x37: {  	(tag) =	ssettag $0x2  }
0x38: {  	s0 =	rddreg [dreg:$0x0];
	s2 =	stileid.u32  }
0x39: {  	s1 =	rddreg [dreg:$0x1];
	p0 =	sne.s32 s2, $0x0  }
0x3a: {  	s3 =	rddreg [dreg:$0x2];
	[bflag:$0x3] =	sbarrier.arrive $0xFFFF;
	s2 =	simm.s32 @!p0 $0x1C02  }
0x3b: {  	[timem:s3], [sflag:s2] =	dma.local @!p0 [hbm:s0], s1  }
0x3c: {  	s0 =	simm.s32 @!p0 $0x2  }
0x3d: {  	_ =	swait.ge @!p0 [sflag:s0], s1  }
0x3e: {  	s1 =	ssub.s32 @!p0 $0x0, s1;
	[sflag:s0] =	ssyncset.done @!p0 $0x0  }
0x3f: {  	[sflag:s0] =	ssyncadd.s32 @!p0 s1  }
0x40: {  	[bflag:$0x3] =	sbarrier.arrive $0xFFFF  }
0x41: {  	_ =	shalt  }

</sc_bundles>
